<compile_context>
chip_gen: v7x
topology: tpu7x:2x2x1
jax: 0.10.2.dev20260603
libtpu: 0.0.44.dev20260713+nightly
codegen_flags: <defaults>
</compile_context>

<pallas_src>
import functools

import jax
import jax.numpy as jnp
from jax.experimental import pallas as pl
from jax.experimental.pallas import tpu as pltpu
from jax.experimental.pallas import tpu_sc as plsc

_NC, _NS, _L = 2, 16, 16
_NW = _NC * _NS


def _gelu(x):
    return 0.5 * x * (1.0 + jax.lax.erf(x * (2.0 ** -0.5)))


def _gather_heads(seq, bpw, sem_hbm, out_hbm, rows_v, dma_sem):
    wid = jax.lax.axis_index("s") * _NC + jax.lax.axis_index("c")
    base = wid * bpw
    copies = []
    for j in range(bpw):
        cp = pltpu.make_async_copy(
            sem_hbm.at[base + j, pl.ds(0, 1), :],
            rows_v.at[pl.ds(j, 1), :], dma_sem)
        cp.start()
        copies.append(cp)
    for cp in copies:
        cp.wait()
    pltpu.sync_copy(rows_v, out_hbm.at[pl.ds(base, bpw)])


def _xattn_kernel(adj_ref, sem0_ref, w_ref, w1_ref, g_ref, b_ref, w2_ref,
                  out_ref):
    h = jnp.dot(sem0_ref[:], w_ref[:], preferred_element_type=jnp.float32)
    ones = jnp.ones((h.shape[0], 1), jnp.float32)
    hx = jnp.concatenate([h, ones], axis=1)
    mask = (adj_ref[:] != 0).astype(jnp.float32)
    agg = jax.lax.dot_general(
        mask, hx, (((0,), (0,)), ((), ())),
        preferred_element_type=jnp.float32)
    d = h.shape[1]
    sums = agg[:, :d]
    counts = agg[:, d:d + 1]
    x = _gelu(sums / jnp.maximum(counts, 1.0))
    x = jax.lax.dot_general(
        x, w1_ref[:], (((1,), (1,)), ((), ())),
        preferred_element_type=jnp.float32)
    x = _gelu(x)
    mu = jnp.mean(x, axis=-1, keepdims=True)
    var = jnp.mean((x - mu) ** 2, axis=-1, keepdims=True)
    x = (x - mu) / jnp.sqrt(var + 1e-5) * g_ref[:] + b_ref[:]
    out_ref[:] = jax.lax.dot_general(
        x, w2_ref[:], (((1,), (1,)), ((), ())),
        preferred_element_type=jnp.float32)


@jax.jit
def kernel(adj, semantics, attention_masks, W, W1, ln_g, ln_b, W2):
    del attention_masks
    n, seq, d = semantics.shape
    bpw = n // _NW
    mesh = plsc.VectorSubcoreMesh(
        core_axis_name="c", subcore_axis_name="s",
        num_cores=_NC, num_subcores=_NS)
    sem0 = pl.kernel(
        functools.partial(_gather_heads, seq, bpw),
        out_type=jax.ShapeDtypeStruct((n, d), jnp.float32),
        mesh=mesh,
        scratch_types=[
            pltpu.VMEM((bpw, d), jnp.float32),
            pltpu.SemaphoreType.DMA,
        ],
    )(semantics)
    out = pl.pallas_call(
        _xattn_kernel,
        out_shape=jax.ShapeDtypeStruct((n, 1), jnp.float32),
    )(adj, sem0, W, W1, ln_g.reshape(1, d), ln_b.reshape(1, d), W2)
    return out[:, 0]

# --- scband reference (transcript-rebuilt; emitter-appended) ---
"""Pipeline reference for scband-xattn-1889785610810 (READ-ONLY COPY).

The authoritative reference and input builder live on the scoring server;
editing this copy changes nothing except your own understanding.
"""

import math
import jax, jax.numpy as jnp
import numpy as np

N, SEQ_LEN, D = 1024, 128, 64

def gelu(x):
    return jax.nn.gelu(x, approximate=False)

def setup_inputs(seed: int = 0) -> dict:
    key = jax.random.key(seed)
    ks = jax.random.split(key, 6)
    adj = jax.random.uniform(ks[0], (N, N), dtype=jnp.float32)
    semantics = jax.random.normal(ks[1], (N, SEQ_LEN, D), dtype=jnp.float32)
    attention_masks = jnp.ones((N, SEQ_LEN, D), dtype=jnp.float32)
    # MPLayer weight W (glorot uniform, hidden x hidden)
    stdv = math.sqrt(6.0 / (D + D))
    W = jax.random.uniform(ks[2], (D, D), minval=-stdv, maxval=stdv, dtype=jnp.float32)
    # MLP predict: Linear(D, D, bias=False), LayerNorm(D), Linear(D, 1, bias=False)
    b1 = 1.0 / math.sqrt(D)
    W1 = jax.random.uniform(ks[3], (D, D), minval=-b1, maxval=b1, dtype=jnp.float32)
    W2 = jax.random.uniform(ks[4], (1, D), minval=-b1, maxval=b1, dtype=jnp.float32)
    ln_g = jnp.ones((D,), dtype=jnp.float32)
    ln_b = jnp.zeros((D,), dtype=jnp.float32)
    return {"adj": adj, "semantics": semantics, "attention_masks": attention_masks,
            "W": W, "W1": W1, "ln_g": ln_g, "ln_b": ln_b, "W2": W2}

def reference(adj, semantics, attention_masks, W, W1, ln_g, ln_b, W2):
    n = semantics.shape[0]
    # edge list from dense adjacency (torch: adj.nonzero()), fixed-shape masked form
    edge_mask = (adj != 0).reshape(-1)
    flat = jnp.arange(n * n)
    src_idx = flat // n
    index = flat % n
    # MPLayer: h = semantics[:, 0] @ W ; gather sources ; scatter_mean by dst ; gelu
    h = semantics[:, 0] @ W
    src = jnp.take(h, src_idx, axis=0) * edge_mask[:, None].astype(h.dtype)
    sums = jax.ops.segment_sum(src, index, num_segments=n)
    counts = jax.ops.segment_sum(edge_mask.astype(h.dtype), index, num_segments=n)
    h_sum = sums / jnp.maximum(counts, 1.0)[:, None]
    x = gelu(h_sum)
    # MLP predict (dropout inactive at inference)
    x = x @ W1.T
    x = gelu(x)
    mu = jnp.mean(x, axis=-1, keepdims=True)
    var = jnp.mean((x - mu) ** 2, axis=-1, keepdims=True)
    x = (x - mu) / jnp.sqrt(var + 1e-5) * ln_g + ln_b
    x = x @ W2.T
    return x.squeeze(-1)

if __name__ == "__main__":
    import jax
    _d = setup_inputs()
    print(jax.jit(kernel)(*tuple(_d.values())))

</pallas_src>

<mosaic_0001>
#map = affine_map<(d0, d1) -> (0, 0, 0)>
#map1 = affine_map<(d0, d1) -> (0, 0)>
module attributes {stable_mosaic.version = 14 : i64} {
  func.func @_gather_heads(%arg0: i32, %arg1: i32, %arg2: memref<1024x128x64xf32, #tpu.memory_space<hbm>>, %arg3: memref<1024x64xf32, #tpu.memory_space<hbm>>, %arg4: memref<32x64xf32, #tpu.memory_space<vmem>>, %arg5: memref<!tpu.dma_semaphore, #tpu.memory_space<semaphore_mem>>) attributes {dimension_semantics = [#tpu.dimension_semantics<core_parallel>, #tpu.dimension_semantics<subcore_parallel>], iteration_bounds = array<i64: 2, 16>, scalar_prefetch = 0 : i64, scratch_operands = 2 : i64, tpu.core_type = #tpu.core_type<sc_vector_subcore>, window_params = [{transform_indices = #map}, {transform_indices = #map1}]} {
    %mul3A = arith.constant 2 : i32
    %mul3A_0 = arith.muli %arg1, %mul3A : i32
    %add3A = arith.addi %mul3A_0, %arg0 : i32
    %mul3A_1 = arith.constant 32 : i32
    %mul3A_2 = arith.muli %add3A, %mul3A_1 : i32
    %add3A_3 = arith.constant 0 : i32
    %add3A_4 = arith.addi %mul3A_2, %add3A_3 : i32
    %dma_start3A = arith.constant 0 : i32
    %dma_start3A_5 = arith.constant 0 : i32
    %dma_start3A_6 = tpu.memref_slice %arg4[%dma_start3A, %dma_start3A_5] : memref<32x64xf32, #tpu.memory_space<vmem>> -> memref<1x64xf32, #tpu.memory_space<vmem>>
    %dma_start3A_7 = arith.constant 0 : i32
    %dma_start3A_8 = arith.constant 0 : i32
    %dma_start3A_9 = tpu.memref_slice %arg2[%add3A_4, %dma_start3A_7, %dma_start3A_8] : memref<1024x128x64xf32, #tpu.memory_space<hbm>> -> memref<1x1x64xf32, #tpu.memory_space<hbm>>
    %dma_start3A_10 = tpu.memref_squeeze %dma_start3A_9 : memref<1x1x64xf32, #tpu.memory_space<hbm>> -> memref<1x64xf32, #tpu.memory_space<hbm>>
    %dma_start3A_11 = arith.constant 0 : i32
    %dma_start3A_12 = arith.constant 0 : i32
    %dma_start3A_13 = tpu.memref_slice %arg4[%dma_start3A_11, %dma_start3A_12] : memref<32x64xf32, #tpu.memory_space<vmem>> -> memref<1x64xf32, #tpu.memory_space<vmem>>
    %dma_start3A_14 = arith.constant 0 : i32
    %dma_start3A_15 = arith.constant 0 : i32
    %dma_start3A_16 = tpu.memref_slice %arg2[%add3A_4, %dma_start3A_14, %dma_start3A_15] : memref<1024x128x64xf32, #tpu.memory_space<hbm>> -> memref<1x1x64xf32, #tpu.memory_space<hbm>>
    %dma_start3A_17 = tpu.memref_squeeze %dma_start3A_16 : memref<1x1x64xf32, #tpu.memory_space<hbm>> -> memref<1x64xf32, #tpu.memory_space<hbm>>
    tpu.enqueue_dma source(%dma_start3A_17 : memref<1x64xf32, #tpu.memory_space<hbm>>) target(%dma_start3A_13 : memref<1x64xf32, #tpu.memory_space<vmem>>) target_semaphore(%arg5 : memref<!tpu.dma_semaphore, #tpu.memory_space<semaphore_mem>>)
    %add3A_18 = arith.constant 1 : i32
    %add3A_19 = arith.addi %mul3A_2, %add3A_18 : i32
    %dma_start3A_20 = arith.constant 1 : i32
    %dma_start3A_21 = arith.constant 0 : i32
    %dma_start3A_22 = tpu.memref_slice %arg4[%dma_start3A_20, %dma_start3A_21] : memref<32x64xf32, #tpu.memory_space<vmem>> -> memref<1x64xf32, #tpu.memory_space<vmem>>
    %dma_start3A_23 = arith.constant 0 : i32
    %dma_start3A_24 = arith.constant 0 : i32
    %dma_start3A_25 = tpu.memref_slice %arg2[%add3A_19, %dma_start3A_23, %dma_start3A_24] : memref<1024x128x64xf32, #tpu.memory_space<hbm>> -> memref<1x1x64xf32, #tpu.memory_space<hbm>>
    %dma_start3A_26 = tpu.memref_squeeze %dma_start3A_25 : memref<1x1x64xf32, #tpu.memory_space<hbm>> -> memref<1x64xf32, #tpu.memory_space<hbm>>
    %dma_start3A_27 = arith.constant 1 : i32
    %dma_start3A_28 = arith.constant 0 : i32
    %dma_start3A_29 = tpu.memref_slice %arg4[%dma_start3A_27, %dma_start3A_28] : memref<32x64xf32, #tpu.memory_space<vmem>> -> memref<1x64xf32, #tpu.memory_space<vmem>>
    %dma_start3A_30 = arith.constant 0 : i32
    %dma_start3A_31 = arith.constant 0 : i32
    %dma_start3A_32 = tpu.memref_slice %arg2[%add3A_19, %dma_start3A_30, %dma_start3A_31] : memref<1024x128x64xf32, #tpu.memory_space<hbm>> -> memref<1x1x64xf32, #tpu.memory_space<hbm>>
    %dma_start3A_33 = tpu.memref_squeeze %dma_start3A_32 : memref<1x1x64xf32, #tpu.memory_space<hbm>> -> memref<1x64xf32, #tpu.memory_space<hbm>>
    tpu.enqueue_dma source(%dma_start3A_33 : memref<1x64xf32, #tpu.memory_space<hbm>>) target(%dma_start3A_29 : memref<1x64xf32, #tpu.memory_space<vmem>>) target_semaphore(%arg5 : memref<!tpu.dma_semaphore, #tpu.memory_space<semaphore_mem>>)
    %add3A_34 = arith.constant 2 : i32
    %add3A_35 = arith.addi %mul3A_2, %add3A_34 : i32
    %dma_start3A_36 = arith.constant 2 : i32
    %dma_start3A_37 = arith.constant 0 : i32
    %dma_start3A_38 = tpu.memref_slice %arg4[%dma_start3A_36, %dma_start3A_37] : memref<32x64xf32, #tpu.memory_space<vmem>> -> memref<1x64xf32, #tpu.memory_space<vmem>>
    %dma_start3A_39 = arith.constant 0 : i32
    %dma_start3A_40 = arith.constant 0 : i32
    %dma_start3A_41 = tpu.memref_slice %arg2[%add3A_35, %dma_start3A_39, %dma_start3A_40] : memref<1024x128x64xf32, #tpu.memory_space<hbm>> -> memref<1x1x64xf32, #tpu.memory_space<hbm>>
    %dma_start3A_42 = tpu.memref_squeeze %dma_start3A_41 : memref<1x1x64xf32, #tpu.memory_space<hbm>> -> memref<1x64xf32, #tpu.memory_space<hbm>>
    %dma_start3A_43 = arith.constant 2 : i32
    %dma_start3A_44 = arith.constant 0 : i32
    %dma_start3A_45 = tpu.memref_slice %arg4[%dma_start3A_43, %dma_start3A_44] : memref<32x64xf32, #tpu.memory_space<vmem>> -> memref<1x64xf32, #tpu.memory_space<vmem>>
    %dma_start3A_46 = arith.constant 0 : i32
    %dma_start3A_47 = arith.constant 0 : i32
    %dma_start3A_48 = tpu.memref_slice %arg2[%add3A_35, %dma_start3A_46, %dma_start3A_47] : memref<1024x128x64xf32, #tpu.memory_space<hbm>> -> memref<1x1x64xf32, #tpu.memory_space<hbm>>
    %dma_start3A_49 = tpu.memref_squeeze %dma_start3A_48 : memref<1x1x64xf32, #tpu.memory_space<hbm>> -> memref<1x64xf32, #tpu.memory_space<hbm>>
    tpu.enqueue_dma source(%dma_start3A_49 : memref<1x64xf32, #tpu.memory_space<hbm>>) target(%dma_start3A_45 : memref<1x64xf32, #tpu.memory_space<vmem>>) target_semaphore(%arg5 : memref<!tpu.dma_semaphore, #tpu.memory_space<semaphore_mem>>)
    %add3A_50 = arith.constant 3 : i32
    %add3A_51 = arith.addi %mul3A_2, %add3A_50 : i32
    %dma_start3A_52 = arith.constant 3 : i32
    %dma_start3A_53 = arith.constant 0 : i32
    %dma_start3A_54 = tpu.memref_slice %arg4[%dma_start3A_52, %dma_start3A_53] : memref<32x64xf32, #tpu.memory_space<vmem>> -> memref<1x64xf32, #tpu.memory_space<vmem>>
    %dma_start3A_55 = arith.constant 0 : i32
    %dma_start3A_56 = arith.constant 0 : i32
    %dma_start3A_57 = tpu.memref_slice %arg2[%add3A_51, %dma_start3A_55, %dma_start3A_56] : memref<1024x128x64xf32, #tpu.memory_space<hbm>> -> memref<1x1x64xf32, #tpu.memory_space<hbm>>
    %dma_start3A_58 = tpu.memref_squeeze %dma_start3A_57 : memref<1x1x64xf32, #tpu.memory_space<hbm>> -> memref<1x64xf32, #tpu.memory_space<hbm>>
    %dma_start3A_59 = arith.constant 3 : i32
    %dma_start3A_60 = arith.constant 0 : i32
    %dma_start3A_61 = tpu.memref_slice %arg4[%dma_start3A_59, %dma_start3A_60] : memref<32x64xf32, #tpu.memory_space<vmem>> -> memref<1x64xf32, #tpu.memory_space<vmem>>
    %dma_start3A_62 = arith.constant 0 : i32
    %dma_start3A_63 = arith.constant 0 : i32
    %dma_start3A_64 = tpu.memref_slice %arg2[%add3A_51, %dma_start3A_62, %dma_start3A_63] : memref<1024x128x64xf32, #tpu.memory_space<hbm>> -> memref<1x1x64xf32, #tpu.memory_space<hbm>>
    %dma_start3A_65 = tpu.memref_squeeze %dma_start3A_64 : memref<1x1x64xf32, #tpu.memory_space<hbm>> -> memref<1x64xf32, #tpu.memory_space<hbm>>
    tpu.enqueue_dma source(%dma_start3A_65 : memref<1x64xf32, #tpu.memory_space<hbm>>) target(%dma_start3A_61 : memref<1x64xf32, #tpu.memory_space<vmem>>) target_semaphore(%arg5 : memref<!tpu.dma_semaphore, #tpu.memory_space<semaphore_mem>>)
    %add3A_66 = arith.constant 4 : i32
    %add3A_67 = arith.addi %mul3A_2, %add3A_66 : i32
    %dma_start3A_68 = arith.constant 4 : i32
    %dma_start3A_69 = arith.constant 0 : i32
    %dma_start3A_70 = tpu.memref_slice %arg4[%dma_start3A_68, %dma_start3A_69] : memref<32x64xf32, #tpu.memory_space<vmem>> -> memref<1x64xf32, #tpu.memory_space<vmem>>
    %dma_start3A_71 = arith.constant 0 : i32
    %dma_start3A_72 = arith.constant 0 : i32
    %dma_start3A_73 = tpu.memref_slice %arg2[%add3A_67, %dma_start3A_71, %dma_start3A_72] : memref<1024x128x64xf32, #tpu.memory_space<hbm>> -> memref<1x1x64xf32, #tpu.memory_space<hbm>>
    %dma_start3A_74 = tpu.memref_squeeze %dma_start3A_73 : memref<1x1x64xf32, #tpu.memory_space<hbm>> -> memref<1x64xf32, #tpu.memory_space<hbm>>
    %dma_start3A_75 = arith.constant 4 : i32
    %dma_start3A_76 = arith.constant 0 : i32
    %dma_start3A_77 = tpu.memref_slice %arg4[%dma_start3A_75, %dma_start3A_76] : memref<32x64xf32, #tpu.memory_space<vmem>> -> memref<1x64xf32, #tpu.memory_space<vmem>>
    %dma_start3A_78 = arith.constant 0 : i32
    %dma_start3A_79 = arith.constant 0 : i32
    %dma_start3A_80 = tpu.memref_slice %arg2[%add3A_67, %dma_start3A_78, %dma_start3A_79] : memref<1024x128x64xf32, #tpu.memory_space<hbm>> -> memref<1x1x64xf32, #tpu.memory_space<hbm>>
    %dma_start3A_81 = tpu.memref_squeeze %dma_start3A_80 : memref<1x1x64xf32, #tpu.memory_space<hbm>> -> memref<1x64xf32, #tpu.memory_space<hbm>>
    tpu.enqueue_dma source(%dma_start3A_81 : memref<1x64xf32, #tpu.memory_space<hbm>>) target(%dma_start3A_77 : memref<1x64xf32, #tpu.memory_space<vmem>>) target_semaphore(%arg5 : memref<!tpu.dma_semaphore, #tpu.memory_space<semaphore_mem>>)
    %add3A_82 = arith.constant 5 : i32
    %add3A_83 = arith.addi %mul3A_2, %add3A_82 : i32
    %dma_start3A_84 = arith.constant 5 : i32
    %dma_start3A_85 = arith.constant 0 : i32
    %dma_start3A_86 = tpu.memref_slice %arg4[%dma_start3A_84, %dma_start3A_85] : memref<32x64xf32, #tpu.memory_space<vmem>> -> memref<1x64xf32, #tpu.memory_space<vmem>>
    %dma_start3A_87 = arith.constant 0 : i32
    %dma_start3A_88 = arith.constant 0 : i32
    %dma_start3A_89 = tpu.memref_slice %arg2[%add3A_83, %dma_start3A_87, %dma_start3A_88] : memref<1024x128x64xf32, #tpu.memory_space<hbm>> -> memref<1x1x64xf32, #tpu.memory_space<hbm>>
    %dma_start3A_90 = tpu.memref_squeeze %dma_start3A_89 : memref<1x1x64xf32, #tpu.memory_space<hbm>> -> memref<1x64xf32, #tpu.memory_space<hbm>>
    %dma_start3A_91 = arith.constant 5 : i32
    %dma_start3A_92 = arith.constant 0 : i32
    %dma_start3A_93 = tpu.memref_slice %arg4[%dma_start3A_91, %dma_start3A_92] : memref<32x64xf32, #tpu.memory_space<vmem>> -> memref<1x64xf32, #tpu.memory_space<vmem>>
    %dma_start3A_94 = arith.constant 0 : i32
    %dma_start3A_95 = arith.constant 0 : i32
    %dma_start3A_96 = tpu.memref_slice %arg2[%add3A_83, %dma_start3A_94, %dma_start3A_95] : memref<1024x128x64xf32, #tpu.memory_space<hbm>> -> memref<1x1x64xf32, #tpu.memory_space<hbm>>
    %dma_start3A_97 = tpu.memref_squeeze %dma_start3A_96 : memref<1x1x64xf32, #tpu.memory_space<hbm>> -> memref<1x64xf32, #tpu.memory_space<hbm>>
    tpu.enqueue_dma source(%dma_start3A_97 : memref<1x64xf32, #tpu.memory_space<hbm>>) target(%dma_start3A_93 : memref<1x64xf32, #tpu.memory_space<vmem>>) target_semaphore(%arg5 : memref<!tpu.dma_semaphore, #tpu.memory_space<semaphore_mem>>)
    %add3A_98 = arith.constant 6 : i32
    %add3A_99 = arith.addi %mul3A_2, %add3A_98 : i32
    %dma_start3A_100 = arith.constant 6 : i32
    %dma_start3A_101 = arith.constant 0 : i32
    %dma_start3A_102 = tpu.memref_slice %arg4[%dma_start3A_100, %dma_start3A_101] : memref<32x64xf32, #tpu.memory_space<vmem>> -> memref<1x64xf32, #tpu.memory_space<vmem>>
    %dma_start3A_103 = arith.constant 0 : i32
    %dma_start3A_104 = arith.constant 0 : i32
    %dma_start3A_105 = tpu.memref_slice %arg2[%add3A_99, %dma_start3A_103, %dma_start3A_104] : memref<1024x128x64xf32, #tpu.memory_space<hbm>> -> memref<1x1x64xf32, #tpu.memory_space<hbm>>
    %dma_start3A_106 = tpu.memref_squeeze %dma_start3A_105 : memref<1x1x64xf32, #tpu.memory_space<hbm>> -> memref<1x64xf32, #tpu.memory_space<hbm>>
    %dma_start3A_107 = arith.constant 6 : i32
    %dma_start3A_108 = arith.constant 0 : i32
    %dma_start3A_109 = tpu.memref_slice %arg4[%dma_start3A_107, %dma_start3A_108] : memref<32x64xf32, #tpu.memory_space<vmem>> -> memref<1x64xf32, #tpu.memory_space<vmem>>
    %dma_start3A_110 = arith.constant 0 : i32
    %dma_start3A_111 = arith.constant 0 : i32
    %dma_start3A_112 = tpu.memref_slice %arg2[%add3A_99, %dma_start3A_110, %dma_start3A_111] : memref<1024x128x64xf32, #tpu.memory_space<hbm>> -> memref<1x1x64xf32, #tpu.memory_space<hbm>>
    %dma_start3A_113 = tpu.memref_squeeze %dma_start3A_112 : memref<1x1x64xf32, #tpu.memory_space<hbm>> -> memref<1x64xf32, #tpu.memory_space<hbm>>
    tpu.enqueue_dma source(%dma_start3A_113 : memref<1x64xf32, #tpu.memory_space<hbm>>) target(%dma_start3A_109 : memref<1x64xf32, #tpu.memory_space<vmem>>) target_semaphore(%arg5 : memref<!tpu.dma_semaphore, #tpu.memory_space<semaphore_mem>>)
    %add3A_114 = arith.constant 7 : i32
    %add3A_115 = arith.addi %mul3A_2, %add3A_114 : i32
    %dma_start3A_116 = arith.constant 7 : i32
    %dma_start3A_117 = arith.constant 0 : i32
    %dma_start3A_118 = tpu.memref_slice %arg4[%dma_start3A_116, %dma_start3A_117] : memref<32x64xf32, #tpu.memory_space<vmem>> -> memref<1x64xf32, #tpu.memory_space<vmem>>
    %dma_start3A_119 = arith.constant 0 : i32
    %dma_start3A_120 = arith.constant 0 : i32
    %dma_start3A_121 = tpu.memref_slice %arg2[%add3A_115, %dma_start3A_119, %dma_start3A_120] : memref<1024x128x64xf32, #tpu.memory_space<hbm>> -> memref<1x1x64xf32, #tpu.memory_space<hbm>>
    %dma_start3A_122 = tpu.memref_squeeze %dma_start3A_121 : memref<1x1x64xf32, #tpu.memory_space<hbm>> -> memref<1x64xf32, #tpu.memory_space<hbm>>
    %dma_start3A_123 = arith.constant 7 : i32
    %dma_start3A_124 = arith.constant 0 : i32
    %dma_start3A_125 = tpu.memref_slice %arg4[%dma_start3A_123, %dma_start3A_124] : memref<32x64xf32, #tpu.memory_space<vmem>> -> memref<1x64xf32, #tpu.memory_space<vmem>>
    %dma_start3A_126 = arith.constant 0 : i32
    %dma_start3A_127 = arith.constant 0 : i32
    %dma_start3A_128 = tpu.memref_slice %arg2[%add3A_115, %dma_start3A_126, %dma_start3A_127] : memref<1024x128x64xf32, #tpu.memory_space<hbm>> -> memref<1x1x64xf32, #tpu.memory_space<hbm>>
    %dma_start3A_129 = tpu.memref_squeeze %dma_start3A_128 : memref<1x1x64xf32, #tpu.memory_space<hbm>> -> memref<1x64xf32, #tpu.memory_space<hbm>>
    tpu.enqueue_dma source(%dma_start3A_129 : memref<1x64xf32, #tpu.memory_space<hbm>>) target(%dma_start3A_125 : memref<1x64xf32, #tpu.memory_space<vmem>>) target_semaphore(%arg5 : memref<!tpu.dma_semaphore, #tpu.memory_space<semaphore_mem>>)
    %add3A_130 = arith.constant 8 : i32
    %add3A_131 = arith.addi %mul3A_2, %add3A_130 : i32
    %dma_start3A_132 = arith.constant 8 : i32
    %dma_start3A_133 = arith.constant 0 : i32
    %dma_start3A_134 = tpu.memref_slice %arg4[%dma_start3A_132, %dma_start3A_133] : memref<32x64xf32, #tpu.memory_space<vmem>> -> memref<1x64xf32, #tpu.memory_space<vmem>>
    %dma_start3A_135 = arith.constant 0 : i32
    %dma_start3A_136 = arith.constant 0 : i32
    %dma_start3A_137 = tpu.memref_slice %arg2[%add3A_131, %dma_start3A_135, %dma_start3A_136] : memref<1024x128x64xf32, #tpu.memory_space<hbm>> -> memref<1x1x64xf32, #tpu.memory_space<hbm>>
    %dma_start3A_138 = tpu.memref_squeeze %dma_start3A_137 : memref<1x1x64xf32, #tpu.memory_space<hbm>> -> memref<1x64xf32, #tpu.memory_space<hbm>>
    %dma_start3A_139 = arith.constant 8 : i32
    %dma_start3A_140 = arith.constant 0 : i32
    %dma_start3A_141 = tpu.memref_slice %arg4[%dma_start3A_139, %dma_start3A_140] : memref<32x64xf32, #tpu.memory_space<vmem>> -> memref<1x64xf32, #tpu.memory_space<vmem>>
    %dma_start3A_142 = arith.constant 0 : i32
    %dma_start3A_143 = arith.constant 0 : i32
    %dma_start3A_144 = tpu.memref_slice %arg2[%add3A_131, %dma_start3A_142, %dma_start3A_143] : memref<1024x128x64xf32, #tpu.memory_space<hbm>> -> memref<1x1x64xf32, #tpu.memory_space<hbm>>
    %dma_start3A_145 = tpu.memref_squeeze %dma_start3A_144 : memref<1x1x64xf32, #tpu.memory_space<hbm>> -> memref<1x64xf32, #tpu.memory_space<hbm>>
    tpu.enqueue_dma source(%dma_start3A_145 : memref<1x64xf32, #tpu.memory_space<hbm>>) target(%dma_start3A_141 : memref<1x64xf32, #tpu.memory_space<vmem>>) target_semaphore(%arg5 : memref<!tpu.dma_semaphore, #tpu.memory_space<semaphore_mem>>)
    %add3A_146 = arith.constant 9 : i32
    %add3A_147 = arith.addi %mul3A_2, %add3A_146 : i32
    %dma_start3A_148 = arith.constant 9 : i32
    %dma_start3A_149 = arith.constant 0 : i32
    %dma_start3A_150 = tpu.memref_slice %arg4[%dma_start3A_148, %dma_start3A_149] : memref<32x64xf32, #tpu.memory_space<vmem>> -> memref<1x64xf32, #tpu.memory_space<vmem>>
    %dma_start3A_151 = arith.constant 0 : i32
    %dma_start3A_152 = arith.constant 0 : i32
    %dma_start3A_153 = tpu.memref_slice %arg2[%add3A_147, %dma_start3A_151, %dma_start3A_152] : memref<1024x128x64xf32, #tpu.memory_space<hbm>> -> memref<1x1x64xf32, #tpu.memory_space<hbm>>
    %dma_start3A_154 = tpu.memref_squeeze %dma_start3A_153 : memref<1x1x64xf32, #tpu.memory_space<hbm>> -> memref<1x64xf32, #tpu.memory_space<hbm>>
    %dma_start3A_155 = arith.constant 9 : i32
    %dma_start3A_156 = arith.constant 0 : i32
    %dma_start3A_157 = tpu.memref_slice %arg4[%dma_start3A_155, %dma_start3A_156] : memref<32x64xf32, #tpu.memory_space<vmem>> -> memref<1x64xf32, #tpu.memory_space<vmem>>
    %dma_start3A_158 = arith.constant 0 : i32
    %dma_start3A_159 = arith.constant 0 : i32
    %dma_start3A_160 = tpu.memref_slice %arg2[%add3A_147, %dma_start3A_158, %dma_start3A_159] : memref<1024x128x64xf32, #tpu.memory_space<hbm>> -> memref<1x1x64xf32, #tpu.memory_space<hbm>>
    %dma_start3A_161 = tpu.memref_squeeze %dma_start3A_160 : memref<1x1x64xf32, #tpu.memory_space<hbm>> -> memref<1x64xf32, #tpu.memory_space<hbm>>
    tpu.enqueue_dma source(%dma_start3A_161 : memref<1x64xf32, #tpu.memory_space<hbm>>) target(%dma_start3A_157 : memref<1x64xf32, #tpu.memory_space<vmem>>) target_semaphore(%arg5 : memref<!tpu.dma_semaphore, #tpu.memory_space<semaphore_mem>>)
    %add3A_162 = arith.constant 10 : i32
    %add3A_163 = arith.addi %mul3A_2, %add3A_162 : i32
    %dma_start3A_164 = arith.constant 10 : i32
    %dma_start3A_165 = arith.constant 0 : i32
    %dma_start3A_166 = tpu.memref_slice %arg4[%dma_start3A_164, %dma_start3A_165] : memref<32x64xf32, #tpu.memory_space<vmem>> -> memref<1x64xf32, #tpu.memory_space<vmem>>
    %dma_start3A_167 = arith.constant 0 : i32
    %dma_start3A_168 = arith.constant 0 : i32
    %dma_start3A_169 = tpu.memref_slice %arg2[%add3A_163, %dma_start3A_167, %dma_start3A_168] : memref<1024x128x64xf32, #tpu.memory_space<hbm>> -> memref<1x1x64xf32, #tpu.memory_space<hbm>>
    %dma_start3A_170 = tpu.memref_squeeze %dma_start3A_169 : memref<1x1x64xf32, #tpu.memory_space<hbm>> -> memref<1x64xf32, #tpu.memory_space<hbm>>
    %dma_start3A_171 = arith.constant 10 : i32
    %dma_start3A_172 = arith.constant 0 : i32
    %dma_start3A_173 = tpu.memref_slice %arg4[%dma_start3A_171, %dma_start3A_172] : memref<32x64xf32, #tpu.memory_space<vmem>> -> memref<1x64xf32, #tpu.memory_space<vmem>>
    %dma_start3A_174 = arith.constant 0 : i32
    %dma_start3A_175 = arith.constant 0 : i32
    %dma_start3A_176 = tpu.memref_slice %arg2[%add3A_163, %dma_start3A_174, %dma_start3A_175] : memref<1024x128x64xf32, #tpu.memory_space<hbm>> -> memref<1x1x64xf32, #tpu.memory_space<hbm>>
    %dma_start3A_177 = tpu.memref_squeeze %dma_start3A_176 : memref<1x1x64xf32, #tpu.memory_space<hbm>> -> memref<1x64xf32, #tpu.memory_space<hbm>>
    tpu.enqueue_dma source(%dma_start3A_177 : memref<1x64xf32, #tpu.memory_space<hbm>>) target(%dma_start3A_173 : memref<1x64xf32, #tpu.memory_space<vmem>>) target_semaphore(%arg5 : memref<!tpu.dma_semaphore, #tpu.memory_space<semaphore_mem>>)
    %add3A_178 = arith.constant 11 : i32
    %add3A_179 = arith.addi %mul3A_2, %add3A_178 : i32
    %dma_start3A_180 = arith.constant 11 : i32
    %dma_start3A_181 = arith.constant 0 : i32
    %dma_start3A_182 = tpu.memref_slice %arg4[%dma_start3A_180, %dma_start3A_181] : memref<32x64xf32, #tpu.memory_space<vmem>> -> memref<1x64xf32, #tpu.memory_space<vmem>>
    %dma_start3A_183 = arith.constant 0 : i32
    %dma_start3A_184 = arith.constant 0 : i32
    %dma_start3A_185 = tpu.memref_slice %arg2[%add3A_179, %dma_start3A_183, %dma_start3A_184] : memref<1024x128x64xf32, #tpu.memory_space<hbm>> -> memref<1x1x64xf32, #tpu.memory_space<hbm>>
    %dma_start3A_186 = tpu.memref_squeeze %dma_start3A_185 : memref<1x1x64xf32, #tpu.memory_space<hbm>> -> memref<1x64xf32, #tpu.memory_space<hbm>>
    %dma_start3A_187 = arith.constant 11 : i32
    %dma_start3A_188 = arith.constant 0 : i32
    %dma_start3A_189 = tpu.memref_slice %arg4[%dma_start3A_187, %dma_start3A_188] : memref<32x64xf32, #tpu.memory_space<vmem>> -> memref<1x64xf32, #tpu.memory_space<vmem>>
    %dma_start3A_190 = arith.constant 0 : i32
    %dma_start3A_191 = arith.constant 0 : i32
    %dma_start3A_192 = tpu.memref_slice %arg2[%add3A_179, %dma_start3A_190, %dma_start3A_191] : memref<1024x128x64xf32, #tpu.memory_space<hbm>> -> memref<1x1x64xf32, #tpu.memory_space<hbm>>
    %dma_start3A_193 = tpu.memref_squeeze %dma_start3A_192 : memref<1x1x64xf32, #tpu.memory_space<hbm>> -> memref<1x64xf32, #tpu.memory_space<hbm>>
    tpu.enqueue_dma source(%dma_start3A_193 : memref<1x64xf32, #tpu.memory_space<hbm>>) target(%dma_start3A_189 : memref<1x64xf32, #tpu.memory_space<vmem>>) target_semaphore(%arg5 : memref<!tpu.dma_semaphore, #tpu.memory_space<semaphore_mem>>)
    %add3A_194 = arith.constant 12 : i32
    %add3A_195 = arith.addi %mul3A_2, %add3A_194 : i32
    %dma_start3A_196 = arith.constant 12 : i32
    %dma_start3A_197 = arith.constant 0 : i32
    %dma_start3A_198 = tpu.memref_slice %arg4[%dma_start3A_196, %dma_start3A_197] : memref<32x64xf32, #tpu.memory_space<vmem>> -> memref<1x64xf32, #tpu.memory_space<vmem>>
    %dma_start3A_199 = arith.constant 0 : i32
    %dma_start3A_200 = arith.constant 0 : i32
    %dma_start3A_201 = tpu.memref_slice %arg2[%add3A_195, %dma_start3A_199, %dma_start3A_200] : memref<1024x128x64xf32, #tpu.memory_space<hbm>> -> memref<1x1x64xf32, #tpu.memory_space<hbm>>
    %dma_start3A_202 = tpu.memref_squeeze %dma_start3A_201 : memref<1x1x64xf32, #tpu.memory_space<hbm>> -> memref<1x64xf32, #tpu.memory_space<hbm>>
    %dma_start3A_203 = arith.constant 12 : i32
    %dma_start3A_204 = arith.constant 0 : i32
    %dma_start3A_205 = tpu.memref_slice %arg4[%dma_start3A_203, %dma_start3A_204] : memref<32x64xf32, #tpu.memory_space<vmem>> -> memref<1x64xf32, #tpu.memory_space<vmem>>
    %dma_start3A_206 = arith.constant 0 : i32
    %dma_start3A_207 = arith.constant 0 : i32
    %dma_start3A_208 = tpu.memref_slice %arg2[%add3A_195, %dma_start3A_206, %dma_start3A_207] : memref<1024x128x64xf32, #tpu.memory_space<hbm>> -> memref<1x1x64xf32, #tpu.memory_space<hbm>>
    %dma_start3A_209 = tpu.memref_squeeze %dma_start3A_208 : memref<1x1x64xf32, #tpu.memory_space<hbm>> -> memref<1x64xf32, #tpu.memory_space<hbm>>
    tpu.enqueue_dma source(%dma_start3A_209 : memref<1x64xf32, #tpu.memory_space<hbm>>) target(%dma_start3A_205 : memref<1x64xf32, #tpu.memory_space<vmem>>) target_semaphore(%arg5 : memref<!tpu.dma_semaphore, #tpu.memory_space<semaphore_mem>>)
    %add3A_210 = arith.constant 13 : i32
    %add3A_211 = arith.addi %mul3A_2, %add3A_210 : i32
    %dma_start3A_212 = arith.constant 13 : i32
    %dma_start3A_213 = arith.constant 0 : i32
    %dma_start3A_214 = tpu.memref_slice %arg4[%dma_start3A_212, %dma_start3A_213] : memref<32x64xf32, #tpu.memory_space<vmem>> -> memref<1x64xf32, #tpu.memory_space<vmem>>
    %dma_start3A_215 = arith.constant 0 : i32
    %dma_start3A_216 = arith.constant 0 : i32
    %dma_start3A_217 = tpu.memref_slice %arg2[%add3A_211, %dma_start3A_215, %dma_start3A_216] : memref<1024x128x64xf32, #tpu.memory_space<hbm>> -> memref<1x1x64xf32, #tpu.memory_space<hbm>>
    %dma_start3A_218 = tpu.memref_squeeze %dma_start3A_217 : memref<1x1x64xf32, #tpu.memory_space<hbm>> -> memref<1x64xf32, #tpu.memory_space<hbm>>
    %dma_start3A_219 = arith.constant 13 : i32
    %dma_start3A_220 = arith.constant 0 : i32
    %dma_start3A_221 = tpu.memref_slice %arg4[%dma_start3A_219, %dma_start3A_220] : memref<32x64xf32, #tpu.memory_space<vmem>> -> memref<1x64xf32, #tpu.memory_space<vmem>>
    %dma_start3A_222 = arith.constant 0 : i32
    %dma_start3A_223 = arith.constant 0 : i32
    %dma_start3A_224 = tpu.memref_slice %arg2[%add3A_211, %dma_start3A_222, %dma_start3A_223] : memref<1024x128x64xf32, #tpu.memory_space<hbm>> -> memref<1x1x64xf32, #tpu.memory_space<hbm>>
    %dma_start3A_225 = tpu.memref_squeeze %dma_start3A_224 : memref<1x1x64xf32, #tpu.memory_space<hbm>> -> memref<1x64xf32, #tpu.memory_space<hbm>>
    tpu.enqueue_dma source(%dma_start3A_225 : memref<1x64xf32, #tpu.memory_space<hbm>>) target(%dma_start3A_221 : memref<1x64xf32, #tpu.memory_space<vmem>>) target_semaphore(%arg5 : memref<!tpu.dma_semaphore, #tpu.memory_space<semaphore_mem>>)
    %add3A_226 = arith.constant 14 : i32
    %add3A_227 = arith.addi %mul3A_2, %add3A_226 : i32
    %dma_start3A_228 = arith.constant 14 : i32
    %dma_start3A_229 = arith.constant 0 : i32
    %dma_start3A_230 = tpu.memref_slice %arg4[%dma_start3A_228, %dma_start3A_229] : memref<32x64xf32, #tpu.memory_space<vmem>> -> memref<1x64xf32, #tpu.memory_space<vmem>>
    %dma_start3A_231 = arith.constant 0 : i32
    %dma_start3A_232 = arith.constant 0 : i32
    %dma_start3A_233 = tpu.memref_slice %arg2[%add3A_227, %dma_start3A_231, %dma_start3A_232] : memref<1024x128x64xf32, #tpu.memory_space<hbm>> -> memref<1x1x64xf32, #tpu.memory_space<hbm>>
    %dma_start3A_234 = tpu.memref_squeeze %dma_start3A_233 : memref<1x1x64xf32, #tpu.memory_space<hbm>> -> memref<1x64xf32, #tpu.memory_space<hbm>>
    %dma_start3A_235 = arith.constant 14 : i32
    %dma_start3A_236 = arith.constant 0 : i32
    %dma_start3A_237 = tpu.memref_slice %arg4[%dma_start3A_235, %dma_start3A_236] : memref<32x64xf32, #tpu.memory_space<vmem>> -> memref<1x64xf32, #tpu.memory_space<vmem>>
    %dma_start3A_238 = arith.constant 0 : i32
    %dma_start3A_239 = arith.constant 0 : i32
    %dma_start3A_240 = tpu.memref_slice %arg2[%add3A_227, %dma_start3A_238, %dma_start3A_239] : memref<1024x128x64xf32, #tpu.memory_space<hbm>> -> memref<1x1x64xf32, #tpu.memory_space<hbm>>
    %dma_start3A_241 = tpu.memref_squeeze %dma_start3A_240 : memref<1x1x64xf32, #tpu.memory_space<hbm>> -> memref<1x64xf32, #tpu.memory_space<hbm>>
    tpu.enqueue_dma source(%dma_start3A_241 : memref<1x64xf32, #tpu.memory_space<hbm>>) target(%dma_start3A_237 : memref<1x64xf32, #tpu.memory_space<vmem>>) target_semaphore(%arg5 : memref<!tpu.dma_semaphore, #tpu.memory_space<semaphore_mem>>)
    %add3A_242 = arith.constant 15 : i32
    %add3A_243 = arith.addi %mul3A_2, %add3A_242 : i32
    %dma_start3A_244 = arith.constant 15 : i32
    %dma_start3A_245 = arith.constant 0 : i32
    %dma_start3A_246 = tpu.memref_slice %arg4[%dma_start3A_244, %dma_start3A_245] : memref<32x64xf32, #tpu.memory_space<vmem>> -> memref<1x64xf32, #tpu.memory_space<vmem>>
    %dma_start3A_247 = arith.constant 0 : i32
    %dma_start3A_248 = arith.constant 0 : i32
    %dma_start3A_249 = tpu.memref_slice %arg2[%add3A_243, %dma_start3A_247, %dma_start3A_248] : memref<1024x128x64xf32, #tpu.memory_space<hbm>> -> memref<1x1x64xf32, #tpu.memory_space<hbm>>
    %dma_start3A_250 = tpu.memref_squeeze %dma_start3A_249 : memref<1x1x64xf32, #tpu.memory_space<hbm>> -> memref<1x64xf32, #tpu.memory_space<hbm>>
    %dma_start3A_251 = arith.constant 15 : i32
    %dma_start3A_252 = arith.constant 0 : i32
    %dma_start3A_253 = tpu.memref_slice %arg4[%dma_start3A_251, %dma_start3A_252] : memref<32x64xf32, #tpu.memory_space<vmem>> -> memref<1x64xf32, #tpu.memory_space<vmem>>
    %dma_start3A_254 = arith.constant 0 : i32
    %dma_start3A_255 = arith.constant 0 : i32
    %dma_start3A_256 = tpu.memref_slice %arg2[%add3A_243, %dma_start3A_254, %dma_start3A_255] : memref<1024x128x64xf32, #tpu.memory_space<hbm>> -> memref<1x1x64xf32, #tpu.memory_space<hbm>>
    %dma_start3A_257 = tpu.memref_squeeze %dma_start3A_256 : memref<1x1x64xf32, #tpu.memory_space<hbm>> -> memref<1x64xf32, #tpu.memory_space<hbm>>
    tpu.enqueue_dma source(%dma_start3A_257 : memref<1x64xf32, #tpu.memory_space<hbm>>) target(%dma_start3A_253 : memref<1x64xf32, #tpu.memory_space<vmem>>) target_semaphore(%arg5 : memref<!tpu.dma_semaphore, #tpu.memory_space<semaphore_mem>>)
    %add3A_258 = arith.constant 16 : i32
    %add3A_259 = arith.addi %mul3A_2, %add3A_258 : i32
    %dma_start3A_260 = arith.constant 16 : i32
    %dma_start3A_261 = arith.constant 0 : i32
    %dma_start3A_262 = tpu.memref_slice %arg4[%dma_start3A_260, %dma_start3A_261] : memref<32x64xf32, #tpu.memory_space<vmem>> -> memref<1x64xf32, #tpu.memory_space<vmem>>
    %dma_start3A_263 = arith.constant 0 : i32
    %dma_start3A_264 = arith.constant 0 : i32
    %dma_start3A_265 = tpu.memref_slice %arg2[%add3A_259, %dma_start3A_263, %dma_start3A_264] : memref<1024x128x64xf32, #tpu.memory_space<hbm>> -> memref<1x1x64xf32, #tpu.memory_space<hbm>>
    %dma_start3A_266 = tpu.memref_squeeze %dma_start3A_265 : memref<1x1x64xf32, #tpu.memory_space<hbm>> -> memref<1x64xf32, #tpu.memory_space<hbm>>
    %dma_start3A_267 = arith.constant 16 : i32
    %dma_start3A_268 = arith.constant 0 : i32
    %dma_start3A_269 = tpu.memref_slice %arg4[%dma_start3A_267, %dma_start3A_268] : memref<32x64xf32, #tpu.memory_space<vmem>> -> memref<1x64xf32, #tpu.memory_space<vmem>>
    %dma_start3A_270 = arith.constant 0 : i32
    %dma_start3A_271 = arith.constant 0 : i32
    %dma_start3A_272 = tpu.memref_slice %arg2[%add3A_259, %dma_start3A_270, %dma_start3A_271] : memref<1024x128x64xf32, #tpu.memory_space<hbm>> -> memref<1x1x64xf32, #tpu.memory_space<hbm>>
    %dma_start3A_273 = tpu.memref_squeeze %dma_start3A_272 : memref<1x1x64xf32, #tpu.memory_space<hbm>> -> memref<1x64xf32, #tpu.memory_space<hbm>>
    tpu.enqueue_dma source(%dma_start3A_273 : memref<1x64xf32, #tpu.memory_space<hbm>>) target(%dma_start3A_269 : memref<1x64xf32, #tpu.memory_space<vmem>>) target_semaphore(%arg5 : memref<!tpu.dma_semaphore, #tpu.memory_space<semaphore_mem>>)
    %add3A_274 = arith.constant 17 : i32
    %add3A_275 = arith.addi %mul3A_2, %add3A_274 : i32
    %dma_start3A_276 = arith.constant 17 : i32
    %dma_start3A_277 = arith.constant 0 : i32
    %dma_start3A_278 = tpu.memref_slice %arg4[%dma_start3A_276, %dma_start3A_277] : memref<32x64xf32, #tpu.memory_space<vmem>> -> memref<1x64xf32, #tpu.memory_space<vmem>>
    %dma_start3A_279 = arith.constant 0 : i32
    %dma_start3A_280 = arith.constant 0 : i32
    %dma_start3A_281 = tpu.memref_slice %arg2[%add3A_275, %dma_start3A_279, %dma_start3A_280] : memref<1024x128x64xf32, #tpu.memory_space<hbm>> -> memref<1x1x64xf32, #tpu.memory_space<hbm>>
    %dma_start3A_282 = tpu.memref_squeeze %dma_start3A_281 : memref<1x1x64xf32, #tpu.memory_space<hbm>> -> memref<1x64xf32, #tpu.memory_space<hbm>>
    %dma_start3A_283 = arith.constant 17 : i32
    %dma_start3A_284 = arith.constant 0 : i32
    %dma_start3A_285 = tpu.memref_slice %arg4[%dma_start3A_283, %dma_start3A_284] : memref<32x64xf32, #tpu.memory_space<vmem>> -> memref<1x64xf32, #tpu.memory_space<vmem>>
    %dma_start3A_286 = arith.constant 0 : i32
    %dma_start3A_287 = arith.constant 0 : i32
    %dma_start3A_288 = tpu.memref_slice %arg2[%add3A_275, %dma_start3A_286, %dma_start3A_287] : memref<1024x128x64xf32, #tpu.memory_space<hbm>> -> memref<1x1x64xf32, #tpu.memory_space<hbm>>
    %dma_start3A_289 = tpu.memref_squeeze %dma_start3A_288 : memref<1x1x64xf32, #tpu.memory_space<hbm>> -> memref<1x64xf32, #tpu.memory_space<hbm>>
    tpu.enqueue_dma source(%dma_start3A_289 : memref<1x64xf32, #tpu.memory_space<hbm>>) target(%dma_start3A_285 : memref<1x64xf32, #tpu.memory_space<vmem>>) target_semaphore(%arg5 : memref<!tpu.dma_semaphore, #tpu.memory_space<semaphore_mem>>)
    %add3A_290 = arith.constant 18 : i32
    %add3A_291 = arith.addi %mul3A_2, %add3A_290 : i32
    %dma_start3A_292 = arith.constant 18 : i32
    %dma_start3A_293 = arith.constant 0 : i32
    %dma_start3A_294 = tpu.memref_slice %arg4[%dma_start3A_292, %dma_start3A_293] : memref<32x64xf32, #tpu.memory_space<vmem>> -> memref<1x64xf32, #tpu.memory_space<vmem>>
    %dma_start3A_295 = arith.constant 0 : i32
    %dma_start3A_296 = arith.constant 0 : i32
    %dma_start3A_297 = tpu.memref_slice %arg2[%add3A_291, %dma_start3A_295, %dma_start3A_296] : memref<1024x128x64xf32, #tpu.memory_space<hbm>> -> memref<1x1x64xf32, #tpu.memory_space<hbm>>
    %dma_start3A_298 = tpu.memref_squeeze %dma_start3A_297 : memref<1x1x64xf32, #tpu.memory_space<hbm>> -> memref<1x64xf32, #tpu.memory_space<hbm>>
    %dma_start3A_299 = arith.constant 18 : i32
    %dma_start3A_300 = arith.constant 0 : i32
    %dma_start3A_301 = tpu.memref_slice %arg4[%dma_start3A_299, %dma_start3A_300] : memref<32x64xf32, #tpu.memory_space<vmem>> -> memref<1x64xf32, #tpu.memory_space<vmem>>
    %dma_start3A_302 = arith.constant 0 : i32
    %dma_start3A_303 = arith.constant 0 : i32
    %dma_start3A_304 = tpu.memref_slice %arg2[%add3A_291, %dma_start3A_302, %dma_start3A_303] : memref<1024x128x64xf32, #tpu.memory_space<hbm>> -> memref<1x1x64xf32, #tpu.memory_space<hbm>>
    %dma_start3A_305 = tpu.memref_squeeze %dma_start3A_304 : memref<1x1x64xf32, #tpu.memory_space<hbm>> -> memref<1x64xf32, #tpu.memory_space<hbm>>
    tpu.enqueue_dma source(%dma_start3A_305 : memref<1x64xf32, #tpu.memory_space<hbm>>) target(%dma_start3A_301 : memref<1x64xf32, #tpu.memory_space<vmem>>) target_semaphore(%arg5 : memref<!tpu.dma_semaphore, #tpu.memory_space<semaphore_mem>>)
    %add3A_306 = arith.constant 19 : i32
    %add3A_307 = arith.addi %mul3A_2, %add3A_306 : i32
    %dma_start3A_308 = arith.constant 19 : i32
    %dma_start3A_309 = arith.constant 0 : i32
    %dma_start3A_310 = tpu.memref_slice %arg4[%dma_start3A_308, %dma_start3A_309] : memref<32x64xf32, #tpu.memory_space<vmem>> -> memref<1x64xf32, #tpu.memory_space<vmem>>
    %dma_start3A_311 = arith.constant 0 : i32
    %dma_start3A_312 = arith.constant 0 : i32
    %dma_start3A_313 = tpu.memref_slice %arg2[%add3A_307, %dma_start3A_311, %dma_start3A_312] : memref<1024x128x64xf32, #tpu.memory_space<hbm>> -> memref<1x1x64xf32, #tpu.memory_space<hbm>>
    %dma_start3A_314 = tpu.memref_squeeze %dma_start3A_313 : memref<1x1x64xf32, #tpu.memory_space<hbm>> -> memref<1x64xf32, #tpu.memory_space<hbm>>
    %dma_start3A_315 = arith.constant 19 : i32
    %dma_start3A_316 = arith.constant 0 : i32
    %dma_start3A_317 = tpu.memref_slice %arg4[%dma_start3A_315, %dma_start3A_316] : memref<32x64xf32, #tpu.memory_space<vmem>> -> memref<1x64xf32, #tpu.memory_space<vmem>>
    %dma_start3A_318 = arith.constant 0 : i32
    %dma_start3A_319 = arith.constant 0 : i32
    %dma_start3A_320 = tpu.memref_slice %arg2[%add3A_307, %dma_start3A_318, %dma_start3A_319] : memref<1024x128x64xf32, #tpu.memory_space<hbm>> -> memref<1x1x64xf32, #tpu.memory_space<hbm>>
    %dma_start3A_321 = tpu.memref_squeeze %dma_start3A_320 : memref<1x1x64xf32, #tpu.memory_space<hbm>> -> memref<1x64xf32, #tpu.memory_space<hbm>>
    tpu.enqueue_dma source(%dma_start3A_321 : memref<1x64xf32, #tpu.memory_space<hbm>>) target(%dma_start3A_317 : memref<1x64xf32, #tpu.memory_space<vmem>>) target_semaphore(%arg5 : memref<!tpu.dma_semaphore, #tpu.memory_space<semaphore_mem>>)
    %add3A_322 = arith.constant 20 : i32
    %add3A_323 = arith.addi %mul3A_2, %add3A_322 : i32
    %dma_start3A_324 = arith.constant 20 : i32
    %dma_start3A_325 = arith.constant 0 : i32
    %dma_start3A_326 = tpu.memref_slice %arg4[%dma_start3A_324, %dma_start3A_325] : memref<32x64xf32, #tpu.memory_space<vmem>> -> memref<1x64xf32, #tpu.memory_space<vmem>>
    %dma_start3A_327 = arith.constant 0 : i32
    %dma_start3A_328 = arith.constant 0 : i32
    %dma_start3A_329 = tpu.memref_slice %arg2[%add3A_323, %dma_start3A_327, %dma_start3A_328] : memref<1024x128x64xf32, #tpu.memory_space<hbm>> -> memref<1x1x64xf32, #tpu.memory_space<hbm>>
    %dma_start3A_330 = tpu.memref_squeeze %dma_start3A_329 : memref<1x1x64xf32, #tpu.memory_space<hbm>> -> memref<1x64xf32, #tpu.memory_space<hbm>>
    %dma_start3A_331 = arith.constant 20 : i32
    %dma_start3A_332 = arith.constant 0 : i32
    %dma_start3A_333 = tpu.memref_slice %arg4[%dma_start3A_331, %dma_start3A_332] : memref<32x64xf32, #tpu.memory_space<vmem>> -> memref<1x64xf32, #tpu.memory_space<vmem>>
    %dma_start3A_334 = arith.constant 0 : i32
    %dma_start3A_335 = arith.constant 0 : i32
    %dma_start3A_336 = tpu.memref_slice %arg2[%add3A_323, %dma_start3A_334, %dma_start3A_335] : memref<1024x128x64xf32, #tpu.memory_space<hbm>> -> memref<1x1x64xf32, #tpu.memory_space<hbm>>
    %dma_start3A_337 = tpu.memref_squeeze %dma_start3A_336 : memref<1x1x64xf32, #tpu.memory_space<hbm>> -> memref<1x64xf32, #tpu.memory_space<hbm>>
    tpu.enqueue_dma source(%dma_start3A_337 : memref<1x64xf32, #tpu.memory_space<hbm>>) target(%dma_start3A_333 : memref<1x64xf32, #tpu.memory_space<vmem>>) target_semaphore(%arg5 : memref<!tpu.dma_semaphore, #tpu.memory_space<semaphore_mem>>)
    %add3A_338 = arith.constant 21 : i32
    %add3A_339 = arith.addi %mul3A_2, %add3A_338 : i32
    %dma_start3A_340 = arith.constant 21 : i32
    %dma_start3A_341 = arith.constant 0 : i32
    %dma_start3A_342 = tpu.memref_slice %arg4[%dma_start3A_340, %dma_start3A_341] : memref<32x64xf32, #tpu.memory_space<vmem>> -> memref<1x64xf32, #tpu.memory_space<vmem>>
    %dma_start3A_343 = arith.constant 0 : i32
    %dma_start3A_344 = arith.constant 0 : i32
    %dma_start3A_345 = tpu.memref_slice %arg2[%add3A_339, %dma_start3A_343, %dma_start3A_344] : memref<1024x128x64xf32, #tpu.memory_space<hbm>> -> memref<1x1x64xf32, #tpu.memory_space<hbm>>
    %dma_start3A_346 = tpu.memref_squeeze %dma_start3A_345 : memref<1x1x64xf32, #tpu.memory_space<hbm>> -> memref<1x64xf32, #tpu.memory_space<hbm>>
    %dma_start3A_347 = arith.constant 21 : i32
    %dma_start3A_348 = arith.constant 0 : i32
    %dma_start3A_349 = tpu.memref_slice %arg4[%dma_start3A_347, %dma_start3A_348] : memref<32x64xf32, #tpu.memory_space<vmem>> -> memref<1x64xf32, #tpu.memory_space<vmem>>
    %dma_start3A_350 = arith.constant 0 : i32
    %dma_start3A_351 = arith.constant 0 : i32
    %dma_start3A_352 = tpu.memref_slice %arg2[%add3A_339, %dma_start3A_350, %dma_start3A_351] : memref<1024x128x64xf32, #tpu.memory_space<hbm>> -> memref<1x1x64xf32, #tpu.memory_space<hbm>>
    %dma_start3A_353 = tpu.memref_squeeze %dma_start3A_352 : memref<1x1x64xf32, #tpu.memory_space<hbm>> -> memref<1x64xf32, #tpu.memory_space<hbm>>
    tpu.enqueue_dma source(%dma_start3A_353 : memref<1x64xf32, #tpu.memory_space<hbm>>) target(%dma_start3A_349 : memref<1x64xf32, #tpu.memory_space<vmem>>) target_semaphore(%arg5 : memref<!tpu.dma_semaphore, #tpu.memory_space<semaphore_mem>>)
    %add3A_354 = arith.constant 22 : i32
    %add3A_355 = arith.addi %mul3A_2, %add3A_354 : i32
    %dma_start3A_356 = arith.constant 22 : i32
    %dma_start3A_357 = arith.constant 0 : i32
    %dma_start3A_358 = tpu.memref_slice %arg4[%dma_start3A_356, %dma_start3A_357] : memref<32x64xf32, #tpu.memory_space<vmem>> -> memref<1x64xf32, #tpu.memory_space<vmem>>
    %dma_start3A_359 = arith.constant 0 : i32
    %dma_start3A_360 = arith.constant 0 : i32
    %dma_start3A_361 = tpu.memref_slice %arg2[%add3A_355, %dma_start3A_359, %dma_start3A_360] : memref<1024x128x64xf32, #tpu.memory_space<hbm>> -> memref<1x1x64xf32, #tpu.memory_space<hbm>>
    %dma_start3A_362 = tpu.memref_squeeze %dma_start3A_361 : memref<1x1x64xf32, #tpu.memory_space<hbm>> -> memref<1x64xf32, #tpu.memory_space<hbm>>
    %dma_start3A_363 = arith.constant 22 : i32
    %dma_start3A_364 = arith.constant 0 : i32
    %dma_start3A_365 = tpu.memref_slice %arg4[%dma_start3A_363, %dma_start3A_364] : memref<32x64xf32, #tpu.memory_space<vmem>> -> memref<1x64xf32, #tpu.memory_space<vmem>>
    %dma_start3A_366 = arith.constant 0 : i32
    %dma_start3A_367 = arith.constant 0 : i32
    %dma_start3A_368 = tpu.memref_slice %arg2[%add3A_355, %dma_start3A_366, %dma_start3A_367] : memref<1024x128x64xf32, #tpu.memory_space<hbm>> -> memref<1x1x64xf32, #tpu.memory_space<hbm>>
    %dma_start3A_369 = tpu.memref_squeeze %dma_start3A_368 : memref<1x1x64xf32, #tpu.memory_space<hbm>> -> memref<1x64xf32, #tpu.memory_space<hbm>>
    tpu.enqueue_dma source(%dma_start3A_369 : memref<1x64xf32, #tpu.memory_space<hbm>>) target(%dma_start3A_365 : memref<1x64xf32, #tpu.memory_space<vmem>>) target_semaphore(%arg5 : memref<!tpu.dma_semaphore, #tpu.memory_space<semaphore_mem>>)
    %add3A_370 = arith.constant 23 : i32
    %add3A_371 = arith.addi %mul3A_2, %add3A_370 : i32
    %dma_start3A_372 = arith.constant 23 : i32
    %dma_start3A_373 = arith.constant 0 : i32
    %dma_start3A_374 = tpu.memref_slice %arg4[%dma_start3A_372, %dma_start3A_373] : memref<32x64xf32, #tpu.memory_space<vmem>> -> memref<1x64xf32, #tpu.memory_space<vmem>>
    %dma_start3A_375 = arith.constant 0 : i32
    %dma_start3A_376 = arith.constant 0 : i32
    %dma_start3A_377 = tpu.memref_slice %arg2[%add3A_371, %dma_start3A_375, %dma_start3A_376] : memref<1024x128x64xf32, #tpu.memory_space<hbm>> -> memref<1x1x64xf32, #tpu.memory_space<hbm>>
    %dma_start3A_378 = tpu.memref_squeeze %dma_start3A_377 : memref<1x1x64xf32, #tpu.memory_space<hbm>> -> memref<1x64xf32, #tpu.memory_space<hbm>>
    %dma_start3A_379 = arith.constant 23 : i32
    %dma_start3A_380 = arith.constant 0 : i32
    %dma_start3A_381 = tpu.memref_slice %arg4[%dma_start3A_379, %dma_start3A_380] : memref<32x64xf32, #tpu.memory_space<vmem>> -> memref<1x64xf32, #tpu.memory_space<vmem>>
    %dma_start3A_382 = arith.constant 0 : i32
    %dma_start3A_383 = arith.constant 0 : i32
    %dma_start3A_384 = tpu.memref_slice %arg2[%add3A_371, %dma_start3A_382, %dma_start3A_383] : memref<1024x128x64xf32, #tpu.memory_space<hbm>> -> memref<1x1x64xf32, #tpu.memory_space<hbm>>
    %dma_start3A_385 = tpu.memref_squeeze %dma_start3A_384 : memref<1x1x64xf32, #tpu.memory_space<hbm>> -> memref<1x64xf32, #tpu.memory_space<hbm>>
    tpu.enqueue_dma source(%dma_start3A_385 : memref<1x64xf32, #tpu.memory_space<hbm>>) target(%dma_start3A_381 : memref<1x64xf32, #tpu.memory_space<vmem>>) target_semaphore(%arg5 : memref<!tpu.dma_semaphore, #tpu.memory_space<semaphore_mem>>)
    %add3A_386 = arith.constant 24 : i32
    %add3A_387 = arith.addi %mul3A_2, %add3A_386 : i32
    %dma_start3A_388 = arith.constant 24 : i32
    %dma_start3A_389 = arith.constant 0 : i32
    %dma_start3A_390 = tpu.memref_slice %arg4[%dma_start3A_388, %dma_start3A_389] : memref<32x64xf32, #tpu.memory_space<vmem>> -> memref<1x64xf32, #tpu.memory_space<vmem>>
    %dma_start3A_391 = arith.constant 0 : i32
    %dma_start3A_392 = arith.constant 0 : i32
    %dma_start3A_393 = tpu.memref_slice %arg2[%add3A_387, %dma_start3A_391, %dma_start3A_392] : memref<1024x128x64xf32, #tpu.memory_space<hbm>> -> memref<1x1x64xf32, #tpu.memory_space<hbm>>
    %dma_start3A_394 = tpu.memref_squeeze %dma_start3A_393 : memref<1x1x64xf32, #tpu.memory_space<hbm>> -> memref<1x64xf32, #tpu.memory_space<hbm>>
    %dma_start3A_395 = arith.constant 24 : i32
    %dma_start3A_396 = arith.constant 0 : i32
    %dma_start3A_397 = tpu.memref_slice %arg4[%dma_start3A_395, %dma_start3A_396] : memref<32x64xf32, #tpu.memory_space<vmem>> -> memref<1x64xf32, #tpu.memory_space<vmem>>
    %dma_start3A_398 = arith.constant 0 : i32
    %dma_start3A_399 = arith.constant 0 : i32
    %dma_start3A_400 = tpu.memref_slice %arg2[%add3A_387, %dma_start3A_398, %dma_start3A_399] : memref<1024x128x64xf32, #tpu.memory_space<hbm>> -> memref<1x1x64xf32, #tpu.memory_space<hbm>>
    %dma_start3A_401 = tpu.memref_squeeze %dma_start3A_400 : memref<1x1x64xf32, #tpu.memory_space<hbm>> -> memref<1x64xf32, #tpu.memory_space<hbm>>
    tpu.enqueue_dma source(%dma_start3A_401 : memref<1x64xf32, #tpu.memory_space<hbm>>) target(%dma_start3A_397 : memref<1x64xf32, #tpu.memory_space<vmem>>) target_semaphore(%arg5 : memref<!tpu.dma_semaphore, #tpu.memory_space<semaphore_mem>>)
    %add3A_402 = arith.constant 25 : i32
    %add3A_403 = arith.addi %mul3A_2, %add3A_402 : i32
    %dma_start3A_404 = arith.constant 25 : i32
    %dma_start3A_405 = arith.constant 0 : i32
    %dma_start3A_406 = tpu.memref_slice %arg4[%dma_start3A_404, %dma_start3A_405] : memref<32x64xf32, #tpu.memory_space<vmem>> -> memref<1x64xf32, #tpu.memory_space<vmem>>
    %dma_start3A_407 = arith.constant 0 : i32
    %dma_start3A_408 = arith.constant 0 : i32
    %dma_start3A_409 = tpu.memref_slice %arg2[%add3A_403, %dma_start3A_407, %dma_start3A_408] : memref<1024x128x64xf32, #tpu.memory_space<hbm>> -> memref<1x1x64xf32, #tpu.memory_space<hbm>>
    %dma_start3A_410 = tpu.memref_squeeze %dma_start3A_409 : memref<1x1x64xf32, #tpu.memory_space<hbm>> -> memref<1x64xf32, #tpu.memory_space<hbm>>
    %dma_start3A_411 = arith.constant 25 : i32
    %dma_start3A_412 = arith.constant 0 : i32
    %dma_start3A_413 = tpu.memref_slice %arg4[%dma_start3A_411, %dma_start3A_412] : memref<32x64xf32, #tpu.memory_space<vmem>> -> memref<1x64xf32, #tpu.memory_space<vmem>>
    %dma_start3A_414 = arith.constant 0 : i32
    %dma_start3A_415 = arith.constant 0 : i32
    %dma_start3A_416 = tpu.memref_slice %arg2[%add3A_403, %dma_start3A_414, %dma_start3A_415] : memref<1024x128x64xf32, #tpu.memory_space<hbm>> -> memref<1x1x64xf32, #tpu.memory_space<hbm>>
    %dma_start3A_417 = tpu.memref_squeeze %dma_start3A_416 : memref<1x1x64xf32, #tpu.memory_space<hbm>> -> memref<1x64xf32, #tpu.memory_space<hbm>>
    tpu.enqueue_dma source(%dma_start3A_417 : memref<1x64xf32, #tpu.memory_space<hbm>>) target(%dma_start3A_413 : memref<1x64xf32, #tpu.memory_space<vmem>>) target_semaphore(%arg5 : memref<!tpu.dma_semaphore, #tpu.memory_space<semaphore_mem>>)
    %add3A_418 = arith.constant 26 : i32
    %add3A_419 = arith.addi %mul3A_2, %add3A_418 : i32
    %dma_start3A_420 = arith.constant 26 : i32
    %dma_start3A_421 = arith.constant 0 : i32
    %dma_start3A_422 = tpu.memref_slice %arg4[%dma_start3A_420, %dma_start3A_421] : memref<32x64xf32, #tpu.memory_space<vmem>> -> memref<1x64xf32, #tpu.memory_space<vmem>>
    %dma_start3A_423 = arith.constant 0 : i32
    %dma_start3A_424 = arith.constant 0 : i32
    %dma_start3A_425 = tpu.memref_slice %arg2[%add3A_419, %dma_start3A_423, %dma_start3A_424] : memref<1024x128x64xf32, #tpu.memory_space<hbm>> -> memref<1x1x64xf32, #tpu.memory_space<hbm>>
    %dma_start3A_426 = tpu.memref_squeeze %dma_start3A_425 : memref<1x1x64xf32, #tpu.memory_space<hbm>> -> memref<1x64xf32, #tpu.memory_space<hbm>>
    %dma_start3A_427 = arith.constant 26 : i32
    %dma_start3A_428 = arith.constant 0 : i32
    %dma_start3A_429 = tpu.memref_slice %arg4[%dma_start3A_427, %dma_start3A_428] : memref<32x64xf32, #tpu.memory_space<vmem>> -> memref<1x64xf32, #tpu.memory_space<vmem>>
    %dma_start3A_430 = arith.constant 0 : i32
    %dma_start3A_431 = arith.constant 0 : i32
    %dma_start3A_432 = tpu.memref_slice %arg2[%add3A_419, %dma_start3A_430, %dma_start3A_431] : memref<1024x128x64xf32, #tpu.memory_space<hbm>> -> memref<1x1x64xf32, #tpu.memory_space<hbm>>
    %dma_start3A_433 = tpu.memref_squeeze %dma_start3A_432 : memref<1x1x64xf32, #tpu.memory_space<hbm>> -> memref<1x64xf32, #tpu.memory_space<hbm>>
    tpu.enqueue_dma source(%dma_start3A_433 : memref<1x64xf32, #tpu.memory_space<hbm>>) target(%dma_start3A_429 : memref<1x64xf32, #tpu.memory_space<vmem>>) target_semaphore(%arg5 : memref<!tpu.dma_semaphore, #tpu.memory_space<semaphore_mem>>)
    %add3A_434 = arith.constant 27 : i32
    %add3A_435 = arith.addi %mul3A_2, %add3A_434 : i32
    %dma_start3A_436 = arith.constant 27 : i32
    %dma_start3A_437 = arith.constant 0 : i32
    %dma_start3A_438 = tpu.memref_slice %arg4[%dma_start3A_436, %dma_start3A_437] : memref<32x64xf32, #tpu.memory_space<vmem>> -> memref<1x64xf32, #tpu.memory_space<vmem>>
    %dma_start3A_439 = arith.constant 0 : i32
    %dma_start3A_440 = arith.constant 0 : i32
    %dma_start3A_441 = tpu.memref_slice %arg2[%add3A_435, %dma_start3A_439, %dma_start3A_440] : memref<1024x128x64xf32, #tpu.memory_space<hbm>> -> memref<1x1x64xf32, #tpu.memory_space<hbm>>
    %dma_start3A_442 = tpu.memref_squeeze %dma_start3A_441 : memref<1x1x64xf32, #tpu.memory_space<hbm>> -> memref<1x64xf32, #tpu.memory_space<hbm>>
    %dma_start3A_443 = arith.constant 27 : i32
    %dma_start3A_444 = arith.constant 0 : i32
    %dma_start3A_445 = tpu.memref_slice %arg4[%dma_start3A_443, %dma_start3A_444] : memref<32x64xf32, #tpu.memory_space<vmem>> -> memref<1x64xf32, #tpu.memory_space<vmem>>
    %dma_start3A_446 = arith.constant 0 : i32
    %dma_start3A_447 = arith.constant 0 : i32
    %dma_start3A_448 = tpu.memref_slice %arg2[%add3A_435, %dma_start3A_446, %dma_start3A_447] : memref<1024x128x64xf32, #tpu.memory_space<hbm>> -> memref<1x1x64xf32, #tpu.memory_space<hbm>>
    %dma_start3A_449 = tpu.memref_squeeze %dma_start3A_448 : memref<1x1x64xf32, #tpu.memory_space<hbm>> -> memref<1x64xf32, #tpu.memory_space<hbm>>
    tpu.enqueue_dma source(%dma_start3A_449 : memref<1x64xf32, #tpu.memory_space<hbm>>) target(%dma_start3A_445 : memref<1x64xf32, #tpu.memory_space<vmem>>) target_semaphore(%arg5 : memref<!tpu.dma_semaphore, #tpu.memory_space<semaphore_mem>>)
    %add3A_450 = arith.constant 28 : i32
    %add3A_451 = arith.addi %mul3A_2, %add3A_450 : i32
    %dma_start3A_452 = arith.constant 28 : i32
    %dma_start3A_453 = arith.constant 0 : i32
    %dma_start3A_454 = tpu.memref_slice %arg4[%dma_start3A_452, %dma_start3A_453] : memref<32x64xf32, #tpu.memory_space<vmem>> -> memref<1x64xf32, #tpu.memory_space<vmem>>
    %dma_start3A_455 = arith.constant 0 : i32
    %dma_start3A_456 = arith.constant 0 : i32
    %dma_start3A_457 = tpu.memref_slice %arg2[%add3A_451, %dma_start3A_455, %dma_start3A_456] : memref<1024x128x64xf32, #tpu.memory_space<hbm>> -> memref<1x1x64xf32, #tpu.memory_space<hbm>>
    %dma_start3A_458 = tpu.memref_squeeze %dma_start3A_457 : memref<1x1x64xf32, #tpu.memory_space<hbm>> -> memref<1x64xf32, #tpu.memory_space<hbm>>
    %dma_start3A_459 = arith.constant 28 : i32
    %dma_start3A_460 = arith.constant 0 : i32
    %dma_start3A_461 = tpu.memref_slice %arg4[%dma_start3A_459, %dma_start3A_460] : memref<32x64xf32, #tpu.memory_space<vmem>> -> memref<1x64xf32, #tpu.memory_space<vmem>>
    %dma_start3A_462 = arith.constant 0 : i32
    %dma_start3A_463 = arith.constant 0 : i32
    %dma_start3A_464 = tpu.memref_slice %arg2[%add3A_451, %dma_start3A_462, %dma_start3A_463] : memref<1024x128x64xf32, #tpu.memory_space<hbm>> -> memref<1x1x64xf32, #tpu.memory_space<hbm>>
    %dma_start3A_465 = tpu.memref_squeeze %dma_start3A_464 : memref<1x1x64xf32, #tpu.memory_space<hbm>> -> memref<1x64xf32, #tpu.memory_space<hbm>>
    tpu.enqueue_dma source(%dma_start3A_465 : memref<1x64xf32, #tpu.memory_space<hbm>>) target(%dma_start3A_461 : memref<1x64xf32, #tpu.memory_space<vmem>>) target_semaphore(%arg5 : memref<!tpu.dma_semaphore, #tpu.memory_space<semaphore_mem>>)
    %add3A_466 = arith.constant 29 : i32
    %add3A_467 = arith.addi %mul3A_2, %add3A_466 : i32
    %dma_start3A_468 = arith.constant 29 : i32
    %dma_start3A_469 = arith.constant 0 : i32
    %dma_start3A_470 = tpu.memref_slice %arg4[%dma_start3A_468, %dma_start3A_469] : memref<32x64xf32, #tpu.memory_space<vmem>> -> memref<1x64xf32, #tpu.memory_space<vmem>>
    %dma_start3A_471 = arith.constant 0 : i32
    %dma_start3A_472 = arith.constant 0 : i32
    %dma_start3A_473 = tpu.memref_slice %arg2[%add3A_467, %dma_start3A_471, %dma_start3A_472] : memref<1024x128x64xf32, #tpu.memory_space<hbm>> -> memref<1x1x64xf32, #tpu.memory_space<hbm>>
    %dma_start3A_474 = tpu.memref_squeeze %dma_start3A_473 : memref<1x1x64xf32, #tpu.memory_space<hbm>> -> memref<1x64xf32, #tpu.memory_space<hbm>>
    %dma_start3A_475 = arith.constant 29 : i32
    %dma_start3A_476 = arith.constant 0 : i32
    %dma_start3A_477 = tpu.memref_slice %arg4[%dma_start3A_475, %dma_start3A_476] : memref<32x64xf32, #tpu.memory_space<vmem>> -> memref<1x64xf32, #tpu.memory_space<vmem>>
    %dma_start3A_478 = arith.constant 0 : i32
    %dma_start3A_479 = arith.constant 0 : i32
    %dma_start3A_480 = tpu.memref_slice %arg2[%add3A_467, %dma_start3A_478, %dma_start3A_479] : memref<1024x128x64xf32, #tpu.memory_space<hbm>> -> memref<1x1x64xf32, #tpu.memory_space<hbm>>
    %dma_start3A_481 = tpu.memref_squeeze %dma_start3A_480 : memref<1x1x64xf32, #tpu.memory_space<hbm>> -> memref<1x64xf32, #tpu.memory_space<hbm>>
    tpu.enqueue_dma source(%dma_start3A_481 : memref<1x64xf32, #tpu.memory_space<hbm>>) target(%dma_start3A_477 : memref<1x64xf32, #tpu.memory_space<vmem>>) target_semaphore(%arg5 : memref<!tpu.dma_semaphore, #tpu.memory_space<semaphore_mem>>)
    %add3A_482 = arith.constant 30 : i32
    %add3A_483 = arith.addi %mul3A_2, %add3A_482 : i32
    %dma_start3A_484 = arith.constant 30 : i32
    %dma_start3A_485 = arith.constant 0 : i32
    %dma_start3A_486 = tpu.memref_slice %arg4[%dma_start3A_484, %dma_start3A_485] : memref<32x64xf32, #tpu.memory_space<vmem>> -> memref<1x64xf32, #tpu.memory_space<vmem>>
    %dma_start3A_487 = arith.constant 0 : i32
    %dma_start3A_488 = arith.constant 0 : i32
    %dma_start3A_489 = tpu.memref_slice %arg2[%add3A_483, %dma_start3A_487, %dma_start3A_488] : memref<1024x128x64xf32, #tpu.memory_space<hbm>> -> memref<1x1x64xf32, #tpu.memory_space<hbm>>
    %dma_start3A_490 = tpu.memref_squeeze %dma_start3A_489 : memref<1x1x64xf32, #tpu.memory_space<hbm>> -> memref<1x64xf32, #tpu.memory_space<hbm>>
    %dma_start3A_491 = arith.constant 30 : i32
    %dma_start3A_492 = arith.constant 0 : i32
    %dma_start3A_493 = tpu.memref_slice %arg4[%dma_start3A_491, %dma_start3A_492] : memref<32x64xf32, #tpu.memory_space<vmem>> -> memref<1x64xf32, #tpu.memory_space<vmem>>
    %dma_start3A_494 = arith.constant 0 : i32
    %dma_start3A_495 = arith.constant 0 : i32
    %dma_start3A_496 = tpu.memref_slice %arg2[%add3A_483, %dma_start3A_494, %dma_start3A_495] : memref<1024x128x64xf32, #tpu.memory_space<hbm>> -> memref<1x1x64xf32, #tpu.memory_space<hbm>>
    %dma_start3A_497 = tpu.memref_squeeze %dma_start3A_496 : memref<1x1x64xf32, #tpu.memory_space<hbm>> -> memref<1x64xf32, #tpu.memory_space<hbm>>
    tpu.enqueue_dma source(%dma_start3A_497 : memref<1x64xf32, #tpu.memory_space<hbm>>) target(%dma_start3A_493 : memref<1x64xf32, #tpu.memory_space<vmem>>) target_semaphore(%arg5 : memref<!tpu.dma_semaphore, #tpu.memory_space<semaphore_mem>>)
    %add3A_498 = arith.constant 31 : i32
    %add3A_499 = arith.addi %mul3A_2, %add3A_498 : i32
    %dma_start3A_500 = arith.constant 31 : i32
    %dma_start3A_501 = arith.constant 0 : i32
    %dma_start3A_502 = tpu.memref_slice %arg4[%dma_start3A_500, %dma_start3A_501] : memref<32x64xf32, #tpu.memory_space<vmem>> -> memref<1x64xf32, #tpu.memory_space<vmem>>
    %dma_start3A_503 = arith.constant 0 : i32
    %dma_start3A_504 = arith.constant 0 : i32
    %dma_start3A_505 = tpu.memref_slice %arg2[%add3A_499, %dma_start3A_503, %dma_start3A_504] : memref<1024x128x64xf32, #tpu.memory_space<hbm>> -> memref<1x1x64xf32, #tpu.memory_space<hbm>>
    %dma_start3A_506 = tpu.memref_squeeze %dma_start3A_505 : memref<1x1x64xf32, #tpu.memory_space<hbm>> -> memref<1x64xf32, #tpu.memory_space<hbm>>
    %dma_start3A_507 = arith.constant 31 : i32
    %dma_start3A_508 = arith.constant 0 : i32
    %dma_start3A_509 = tpu.memref_slice %arg4[%dma_start3A_507, %dma_start3A_508] : memref<32x64xf32, #tpu.memory_space<vmem>> -> memref<1x64xf32, #tpu.memory_space<vmem>>
    %dma_start3A_510 = arith.constant 0 : i32
    %dma_start3A_511 = arith.constant 0 : i32
    %dma_start3A_512 = tpu.memref_slice %arg2[%add3A_499, %dma_start3A_510, %dma_start3A_511] : memref<1024x128x64xf32, #tpu.memory_space<hbm>> -> memref<1x1x64xf32, #tpu.memory_space<hbm>>
    %dma_start3A_513 = tpu.memref_squeeze %dma_start3A_512 : memref<1x1x64xf32, #tpu.memory_space<hbm>> -> memref<1x64xf32, #tpu.memory_space<hbm>>
    tpu.enqueue_dma source(%dma_start3A_513 : memref<1x64xf32, #tpu.memory_space<hbm>>) target(%dma_start3A_509 : memref<1x64xf32, #tpu.memory_space<vmem>>) target_semaphore(%arg5 : memref<!tpu.dma_semaphore, #tpu.memory_space<semaphore_mem>>)
    %dma_wait3A = arith.constant 0 : i32
    %dma_wait3A_514 = arith.constant 0 : i32
    %dma_wait3A_515 = tpu.memref_slice %arg4[%dma_wait3A, %dma_wait3A_514] : memref<32x64xf32, #tpu.memory_space<vmem>> -> memref<1x64xf32, #tpu.memory_space<vmem>>
    %dma_wait3A_516 = arith.constant 0 : i32
    %dma_wait3A_517 = arith.constant 0 : i32
    %dma_wait3A_518 = tpu.memref_slice %arg2[%add3A_4, %dma_wait3A_516, %dma_wait3A_517] : memref<1024x128x64xf32, #tpu.memory_space<hbm>> -> memref<1x1x64xf32, #tpu.memory_space<hbm>>
    %dma_wait3A_519 = tpu.memref_squeeze %dma_wait3A_518 : memref<1x1x64xf32, #tpu.memory_space<hbm>> -> memref<1x64xf32, #tpu.memory_space<hbm>>
    %dma_wait3A_520 = arith.constant 0 : i32
    %dma_wait3A_521 = arith.constant 0 : i32
    %dma_wait3A_522 = tpu.memref_slice %arg4[%dma_wait3A_520, %dma_wait3A_521] : memref<32x64xf32, #tpu.memory_space<vmem>> -> memref<1x64xf32, #tpu.memory_space<vmem>>
    %dma_wait3A_523 = arith.constant 0 : i32
    %dma_wait3A_524 = arith.constant 0 : i32
    %dma_wait3A_525 = tpu.memref_slice %arg2[%add3A_4, %dma_wait3A_523, %dma_wait3A_524] : memref<1024x128x64xf32, #tpu.memory_space<hbm>> -> memref<1x1x64xf32, #tpu.memory_space<hbm>>
    %dma_wait3A_526 = tpu.memref_squeeze %dma_wait3A_525 : memref<1x1x64xf32, #tpu.memory_space<hbm>> -> memref<1x64xf32, #tpu.memory_space<hbm>>
    tpu.wait_dma2 semaphore(%arg5 : memref<!tpu.dma_semaphore, #tpu.memory_space<semaphore_mem>>) src(%dma_wait3A_526 : memref<1x64xf32, #tpu.memory_space<hbm>>) dst(%dma_wait3A_522 : memref<1x64xf32, #tpu.memory_space<vmem>>)
    %dma_wait3A_527 = arith.constant 1 : i32
    %dma_wait3A_528 = arith.constant 0 : i32
    %dma_wait3A_529 = tpu.memref_slice %arg4[%dma_wait3A_527, %dma_wait3A_528] : memref<32x64xf32, #tpu.memory_space<vmem>> -> memref<1x64xf32, #tpu.memory_space<vmem>>
    %dma_wait3A_530 = arith.constant 0 : i32
    %dma_wait3A_531 = arith.constant 0 : i32
    %dma_wait3A_532 = tpu.memref_slice %arg2[%add3A_19, %dma_wait3A_530, %dma_wait3A_531] : memref<1024x128x64xf32, #tpu.memory_space<hbm>> -> memref<1x1x64xf32, #tpu.memory_space<hbm>>
    %dma_wait3A_533 = tpu.memref_squeeze %dma_wait3A_532 : memref<1x1x64xf32, #tpu.memory_space<hbm>> -> memref<1x64xf32, #tpu.memory_space<hbm>>
    %dma_wait3A_534 = arith.constant 1 : i32
    %dma_wait3A_535 = arith.constant 0 : i32
    %dma_wait3A_536 = tpu.memref_slice %arg4[%dma_wait3A_534, %dma_wait3A_535] : memref<32x64xf32, #tpu.memory_space<vmem>> -> memref<1x64xf32, #tpu.memory_space<vmem>>
    %dma_wait3A_537 = arith.constant 0 : i32
    %dma_wait3A_538 = arith.constant 0 : i32
    %dma_wait3A_539 = tpu.memref_slice %arg2[%add3A_19, %dma_wait3A_537, %dma_wait3A_538] : memref<1024x128x64xf32, #tpu.memory_space<hbm>> -> memref<1x1x64xf32, #tpu.memory_space<hbm>>
    %dma_wait3A_540 = tpu.memref_squeeze %dma_wait3A_539 : memref<1x1x64xf32, #tpu.memory_space<hbm>> -> memref<1x64xf32, #tpu.memory_space<hbm>>
    tpu.wait_dma2 semaphore(%arg5 : memref<!tpu.dma_semaphore, #tpu.memory_space<semaphore_mem>>) src(%dma_wait3A_540 : memref<1x64xf32, #tpu.memory_space<hbm>>) dst(%dma_wait3A_536 : memref<1x64xf32, #tpu.memory_space<vmem>>)
    %dma_wait3A_541 = arith.constant 2 : i32
    %dma_wait3A_542 = arith.constant 0 : i32
    %dma_wait3A_543 = tpu.memref_slice %arg4[%dma_wait3A_541, %dma_wait3A_542] : memref<32x64xf32, #tpu.memory_space<vmem>> -> memref<1x64xf32, #tpu.memory_space<vmem>>
    %dma_wait3A_544 = arith.constant 0 : i32
    %dma_wait3A_545 = arith.constant 0 : i32
    %dma_wait3A_546 = tpu.memref_slice %arg2[%add3A_35, %dma_wait3A_544, %dma_wait3A_545] : memref<1024x128x64xf32, #tpu.memory_space<hbm>> -> memref<1x1x64xf32, #tpu.memory_space<hbm>>
    %dma_wait3A_547 = tpu.memref_squeeze %dma_wait3A_546 : memref<1x1x64xf32, #tpu.memory_space<hbm>> -> memref<1x64xf32, #tpu.memory_space<hbm>>
    %dma_wait3A_548 = arith.constant 2 : i32
    %dma_wait3A_549 = arith.constant 0 : i32
    %dma_wait3A_550 = tpu.memref_slice %arg4[%dma_wait3A_548, %dma_wait3A_549] : memref<32x64xf32, #tpu.memory_space<vmem>> -> memref<1x64xf32, #tpu.memory_space<vmem>>
    %dma_wait3A_551 = arith.constant 0 : i32
    %dma_wait3A_552 = arith.constant 0 : i32
    %dma_wait3A_553 = tpu.memref_slice %arg2[%add3A_35, %dma_wait3A_551, %dma_wait3A_552] : memref<1024x128x64xf32, #tpu.memory_space<hbm>> -> memref<1x1x64xf32, #tpu.memory_space<hbm>>
    %dma_wait3A_554 = tpu.memref_squeeze %dma_wait3A_553 : memref<1x1x64xf32, #tpu.memory_space<hbm>> -> memref<1x64xf32, #tpu.memory_space<hbm>>
    tpu.wait_dma2 semaphore(%arg5 : memref<!tpu.dma_semaphore, #tpu.memory_space<semaphore_mem>>) src(%dma_wait3A_554 : memref<1x64xf32, #tpu.memory_space<hbm>>) dst(%dma_wait3A_550 : memref<1x64xf32, #tpu.memory_space<vmem>>)
    %dma_wait3A_555 = arith.constant 3 : i32
    %dma_wait3A_556 = arith.constant 0 : i32
    %dma_wait3A_557 = tpu.memref_slice %arg4[%dma_wait3A_555, %dma_wait3A_556] : memref<32x64xf32, #tpu.memory_space<vmem>> -> memref<1x64xf32, #tpu.memory_space<vmem>>
    %dma_wait3A_558 = arith.constant 0 : i32
    %dma_wait3A_559 = arith.constant 0 : i32
    %dma_wait3A_560 = tpu.memref_slice %arg2[%add3A_51, %dma_wait3A_558, %dma_wait3A_559] : memref<1024x128x64xf32, #tpu.memory_space<hbm>> -> memref<1x1x64xf32, #tpu.memory_space<hbm>>
    %dma_wait3A_561 = tpu.memref_squeeze %dma_wait3A_560 : memref<1x1x64xf32, #tpu.memory_space<hbm>> -> memref<1x64xf32, #tpu.memory_space<hbm>>
    %dma_wait3A_562 = arith.constant 3 : i32
    %dma_wait3A_563 = arith.constant 0 : i32
    %dma_wait3A_564 = tpu.memref_slice %arg4[%dma_wait3A_562, %dma_wait3A_563] : memref<32x64xf32, #tpu.memory_space<vmem>> -> memref<1x64xf32, #tpu.memory_space<vmem>>
    %dma_wait3A_565 = arith.constant 0 : i32
    %dma_wait3A_566 = arith.constant 0 : i32
    %dma_wait3A_567 = tpu.memref_slice %arg2[%add3A_51, %dma_wait3A_565, %dma_wait3A_566] : memref<1024x128x64xf32, #tpu.memory_space<hbm>> -> memref<1x1x64xf32, #tpu.memory_space<hbm>>
    %dma_wait3A_568 = tpu.memref_squeeze %dma_wait3A_567 : memref<1x1x64xf32, #tpu.memory_space<hbm>> -> memref<1x64xf32, #tpu.memory_space<hbm>>
    tpu.wait_dma2 semaphore(%arg5 : memref<!tpu.dma_semaphore, #tpu.memory_space<semaphore_mem>>) src(%dma_wait3A_568 : memref<1x64xf32, #tpu.memory_space<hbm>>) dst(%dma_wait3A_564 : memref<1x64xf32, #tpu.memory_space<vmem>>)
    %dma_wait3A_569 = arith.constant 4 : i32
    %dma_wait3A_570 = arith.constant 0 : i32
    %dma_wait3A_571 = tpu.memref_slice %arg4[%dma_wait3A_569, %dma_wait3A_570] : memref<32x64xf32, #tpu.memory_space<vmem>> -> memref<1x64xf32, #tpu.memory_space<vmem>>
    %dma_wait3A_572 = arith.constant 0 : i32
    %dma_wait3A_573 = arith.constant 0 : i32
    %dma_wait3A_574 = tpu.memref_slice %arg2[%add3A_67, %dma_wait3A_572, %dma_wait3A_573] : memref<1024x128x64xf32, #tpu.memory_space<hbm>> -> memref<1x1x64xf32, #tpu.memory_space<hbm>>
    %dma_wait3A_575 = tpu.memref_squeeze %dma_wait3A_574 : memref<1x1x64xf32, #tpu.memory_space<hbm>> -> memref<1x64xf32, #tpu.memory_space<hbm>>
    %dma_wait3A_576 = arith.constant 4 : i32
    %dma_wait3A_577 = arith.constant 0 : i32
    %dma_wait3A_578 = tpu.memref_slice %arg4[%dma_wait3A_576, %dma_wait3A_577] : memref<32x64xf32, #tpu.memory_space<vmem>> -> memref<1x64xf32, #tpu.memory_space<vmem>>
    %dma_wait3A_579 = arith.constant 0 : i32
    %dma_wait3A_580 = arith.constant 0 : i32
    %dma_wait3A_581 = tpu.memref_slice %arg2[%add3A_67, %dma_wait3A_579, %dma_wait3A_580] : memref<1024x128x64xf32, #tpu.memory_space<hbm>> -> memref<1x1x64xf32, #tpu.memory_space<hbm>>
    %dma_wait3A_582 = tpu.memref_squeeze %dma_wait3A_581 : memref<1x1x64xf32, #tpu.memory_space<hbm>> -> memref<1x64xf32, #tpu.memory_space<hbm>>
    tpu.wait_dma2 semaphore(%arg5 : memref<!tpu.dma_semaphore, #tpu.memory_space<semaphore_mem>>) src(%dma_wait3A_582 : memref<1x64xf32, #tpu.memory_space<hbm>>) dst(%dma_wait3A_578 : memref<1x64xf32, #tpu.memory_space<vmem>>)
    %dma_wait3A_583 = arith.constant 5 : i32
    %dma_wait3A_584 = arith.constant 0 : i32
    %dma_wait3A_585 = tpu.memref_slice %arg4[%dma_wait3A_583, %dma_wait3A_584] : memref<32x64xf32, #tpu.memory_space<vmem>> -> memref<1x64xf32, #tpu.memory_space<vmem>>
    %dma_wait3A_586 = arith.constant 0 : i32
    %dma_wait3A_587 = arith.constant 0 : i32
    %dma_wait3A_588 = tpu.memref_slice %arg2[%add3A_83, %dma_wait3A_586, %dma_wait3A_587] : memref<1024x128x64xf32, #tpu.memory_space<hbm>> -> memref<1x1x64xf32, #tpu.memory_space<hbm>>
    %dma_wait3A_589 = tpu.memref_squeeze %dma_wait3A_588 : memref<1x1x64xf32, #tpu.memory_space<hbm>> -> memref<1x64xf32, #tpu.memory_space<hbm>>
    %dma_wait3A_590 = arith.constant 5 : i32
    %dma_wait3A_591 = arith.constant 0 : i32
    %dma_wait3A_592 = tpu.memref_slice %arg4[%dma_wait3A_590, %dma_wait3A_591] : memref<32x64xf32, #tpu.memory_space<vmem>> -> memref<1x64xf32, #tpu.memory_space<vmem>>
    %dma_wait3A_593 = arith.constant 0 : i32
    %dma_wait3A_594 = arith.constant 0 : i32
    %dma_wait3A_595 = tpu.memref_slice %arg2[%add3A_83, %dma_wait3A_593, %dma_wait3A_594] : memref<1024x128x64xf32, #tpu.memory_space<hbm>> -> memref<1x1x64xf32, #tpu.memory_space<hbm>>
    %dma_wait3A_596 = tpu.memref_squeeze %dma_wait3A_595 : memref<1x1x64xf32, #tpu.memory_space<hbm>> -> memref<1x64xf32, #tpu.memory_space<hbm>>
    tpu.wait_dma2 semaphore(%arg5 : memref<!tpu.dma_semaphore, #tpu.memory_space<semaphore_mem>>) src(%dma_wait3A_596 : memref<1x64xf32, #tpu.memory_space<hbm>>) dst(%dma_wait3A_592 : memref<1x64xf32, #tpu.memory_space<vmem>>)
    %dma_wait3A_597 = arith.constant 6 : i32
    %dma_wait3A_598 = arith.constant 0 : i32
    %dma_wait3A_599 = tpu.memref_slice %arg4[%dma_wait3A_597, %dma_wait3A_598] : memref<32x64xf32, #tpu.memory_space<vmem>> -> memref<1x64xf32, #tpu.memory_space<vmem>>
    %dma_wait3A_600 = arith.constant 0 : i32
    %dma_wait3A_601 = arith.constant 0 : i32
    %dma_wait3A_602 = tpu.memref_slice %arg2[%add3A_99, %dma_wait3A_600, %dma_wait3A_601] : memref<1024x128x64xf32, #tpu.memory_space<hbm>> -> memref<1x1x64xf32, #tpu.memory_space<hbm>>
    %dma_wait3A_603 = tpu.memref_squeeze %dma_wait3A_602 : memref<1x1x64xf32, #tpu.memory_space<hbm>> -> memref<1x64xf32, #tpu.memory_space<hbm>>
    %dma_wait3A_604 = arith.constant 6 : i32
    %dma_wait3A_605 = arith.constant 0 : i32
    %dma_wait3A_606 = tpu.memref_slice %arg4[%dma_wait3A_604, %dma_wait3A_605] : memref<32x64xf32, #tpu.memory_space<vmem>> -> memref<1x64xf32, #tpu.memory_space<vmem>>
    %dma_wait3A_607 = arith.constant 0 : i32
    %dma_wait3A_608 = arith.constant 0 : i32
    %dma_wait3A_609 = tpu.memref_slice %arg2[%add3A_99, %dma_wait3A_607, %dma_wait3A_608] : memref<1024x128x64xf32, #tpu.memory_space<hbm>> -> memref<1x1x64xf32, #tpu.memory_space<hbm>>
    %dma_wait3A_610 = tpu.memref_squeeze %dma_wait3A_609 : memref<1x1x64xf32, #tpu.memory_space<hbm>> -> memref<1x64xf32, #tpu.memory_space<hbm>>
    tpu.wait_dma2 semaphore(%arg5 : memref<!tpu.dma_semaphore, #tpu.memory_space<semaphore_mem>>) src(%dma_wait3A_610 : memref<1x64xf32, #tpu.memory_space<hbm>>) dst(%dma_wait3A_606 : memref<1x64xf32, #tpu.memory_space<vmem>>)
    %dma_wait3A_611 = arith.constant 7 : i32
    %dma_wait3A_612 = arith.constant 0 : i32
    %dma_wait3A_613 = tpu.memref_slice %arg4[%dma_wait3A_611, %dma_wait3A_612] : memref<32x64xf32, #tpu.memory_space<vmem>> -> memref<1x64xf32, #tpu.memory_space<vmem>>
    %dma_wait3A_614 = arith.constant 0 : i32
    %dma_wait3A_615 = arith.constant 0 : i32
    %dma_wait3A_616 = tpu.memref_slice %arg2[%add3A_115, %dma_wait3A_614, %dma_wait3A_615] : memref<1024x128x64xf32, #tpu.memory_space<hbm>> -> memref<1x1x64xf32, #tpu.memory_space<hbm>>
    %dma_wait3A_617 = tpu.memref_squeeze %dma_wait3A_616 : memref<1x1x64xf32, #tpu.memory_space<hbm>> -> memref<1x64xf32, #tpu.memory_space<hbm>>
    %dma_wait3A_618 = arith.constant 7 : i32
    %dma_wait3A_619 = arith.constant 0 : i32
    %dma_wait3A_620 = tpu.memref_slice %arg4[%dma_wait3A_618, %dma_wait3A_619] : memref<32x64xf32, #tpu.memory_space<vmem>> -> memref<1x64xf32, #tpu.memory_space<vmem>>
    %dma_wait3A_621 = arith.constant 0 : i32
    %dma_wait3A_622 = arith.constant 0 : i32
    %dma_wait3A_623 = tpu.memref_slice %arg2[%add3A_115, %dma_wait3A_621, %dma_wait3A_622] : memref<1024x128x64xf32, #tpu.memory_space<hbm>> -> memref<1x1x64xf32, #tpu.memory_space<hbm>>
    %dma_wait3A_624 = tpu.memref_squeeze %dma_wait3A_623 : memref<1x1x64xf32, #tpu.memory_space<hbm>> -> memref<1x64xf32, #tpu.memory_space<hbm>>
    tpu.wait_dma2 semaphore(%arg5 : memref<!tpu.dma_semaphore, #tpu.memory_space<semaphore_mem>>) src(%dma_wait3A_624 : memref<1x64xf32, #tpu.memory_space<hbm>>) dst(%dma_wait3A_620 : memref<1x64xf32, #tpu.memory_space<vmem>>)
    %dma_wait3A_625 = arith.constant 8 : i32
    %dma_wait3A_626 = arith.constant 0 : i32
    %dma_wait3A_627 = tpu.memref_slice %arg4[%dma_wait3A_625, %dma_wait3A_626] : memref<32x64xf32, #tpu.memory_space<vmem>> -> memref<1x64xf32, #tpu.memory_space<vmem>>
    %dma_wait3A_628 = arith.constant 0 : i32
    %dma_wait3A_629 = arith.constant 0 : i32
    %dma_wait3A_630 = tpu.memref_slice %arg2[%add3A_131, %dma_wait3A_628, %dma_wait3A_629] : memref<1024x128x64xf32, #tpu.memory_space<hbm>> -> memref<1x1x64xf32, #tpu.memory_space<hbm>>
    %dma_wait3A_631 = tpu.memref_squeeze %dma_wait3A_630 : memref<1x1x64xf32, #tpu.memory_space<hbm>> -> memref<1x64xf32, #tpu.memory_space<hbm>>
    %dma_wait3A_632 = arith.constant 8 : i32
    %dma_wait3A_633 = arith.constant 0 : i32
    %dma_wait3A_634 = tpu.memref_slice %arg4[%dma_wait3A_632, %dma_wait3A_633] : memref<32x64xf32, #tpu.memory_space<vmem>> -> memref<1x64xf32, #tpu.memory_space<vmem>>
    %dma_wait3A_635 = arith.constant 0 : i32
    %dma_wait3A_636 = arith.constant 0 : i32
    %dma_wait3A_637 = tpu.memref_slice %arg2[%add3A_131, %dma_wait3A_635, %dma_wait3A_636] : memref<1024x128x64xf32, #tpu.memory_space<hbm>> -> memref<1x1x64xf32, #tpu.memory_space<hbm>>
    %dma_wait3A_638 = tpu.memref_squeeze %dma_wait3A_637 : memref<1x1x64xf32, #tpu.memory_space<hbm>> -> memref<1x64xf32, #tpu.memory_space<hbm>>
    tpu.wait_dma2 semaphore(%arg5 : memref<!tpu.dma_semaphore, #tpu.memory_space<semaphore_mem>>) src(%dma_wait3A_638 : memref<1x64xf32, #tpu.memory_space<hbm>>) dst(%dma_wait3A_634 : memref<1x64xf32, #tpu.memory_space<vmem>>)
    %dma_wait3A_639 = arith.constant 9 : i32
    %dma_wait3A_640 = arith.constant 0 : i32
    %dma_wait3A_641 = tpu.memref_slice %arg4[%dma_wait3A_639, %dma_wait3A_640] : memref<32x64xf32, #tpu.memory_space<vmem>> -> memref<1x64xf32, #tpu.memory_space<vmem>>
    %dma_wait3A_642 = arith.constant 0 : i32
    %dma_wait3A_643 = arith.constant 0 : i32
    %dma_wait3A_644 = tpu.memref_slice %arg2[%add3A_147, %dma_wait3A_642, %dma_wait3A_643] : memref<1024x128x64xf32, #tpu.memory_space<hbm>> -> memref<1x1x64xf32, #tpu.memory_space<hbm>>
    %dma_wait3A_645 = tpu.memref_squeeze %dma_wait3A_644 : memref<1x1x64xf32, #tpu.memory_space<hbm>> -> memref<1x64xf32, #tpu.memory_space<hbm>>
    %dma_wait3A_646 = arith.constant 9 : i32
    %dma_wait3A_647 = arith.constant 0 : i32
    %dma_wait3A_648 = tpu.memref_slice %arg4[%dma_wait3A_646, %dma_wait3A_647] : memref<32x64xf32, #tpu.memory_space<vmem>> -> memref<1x64xf32, #tpu.memory_space<vmem>>
    %dma_wait3A_649 = arith.constant 0 : i32
    %dma_wait3A_650 = arith.constant 0 : i32
    %dma_wait3A_651 = tpu.memref_slice %arg2[%add3A_147, %dma_wait3A_649, %dma_wait3A_650] : memref<1024x128x64xf32, #tpu.memory_space<hbm>> -> memref<1x1x64xf32, #tpu.memory_space<hbm>>
    %dma_wait3A_652 = tpu.memref_squeeze %dma_wait3A_651 : memref<1x1x64xf32, #tpu.memory_space<hbm>> -> memref<1x64xf32, #tpu.memory_space<hbm>>
    tpu.wait_dma2 semaphore(%arg5 : memref<!tpu.dma_semaphore, #tpu.memory_space<semaphore_mem>>) src(%dma_wait3A_652 : memref<1x64xf32, #tpu.memory_space<hbm>>) dst(%dma_wait3A_648 : memref<1x64xf32, #tpu.memory_space<vmem>>)
    %dma_wait3A_653 = arith.constant 10 : i32
    %dma_wait3A_654 = arith.constant 0 : i32
    %dma_wait3A_655 = tpu.memref_slice %arg4[%dma_wait3A_653, %dma_wait3A_654] : memref<32x64xf32, #tpu.memory_space<vmem>> -> memref<1x64xf32, #tpu.memory_space<vmem>>
    %dma_wait3A_656 = arith.constant 0 : i32
    %dma_wait3A_657 = arith.constant 0 : i32
    %dma_wait3A_658 = tpu.memref_slice %arg2[%add3A_163, %dma_wait3A_656, %dma_wait3A_657] : memref<1024x128x64xf32, #tpu.memory_space<hbm>> -> memref<1x1x64xf32, #tpu.memory_space<hbm>>
    %dma_wait3A_659 = tpu.memref_squeeze %dma_wait3A_658 : memref<1x1x64xf32, #tpu.memory_space<hbm>> -> memref<1x64xf32, #tpu.memory_space<hbm>>
    %dma_wait3A_660 = arith.constant 10 : i32
    %dma_wait3A_661 = arith.constant 0 : i32
    %dma_wait3A_662 = tpu.memref_slice %arg4[%dma_wait3A_660, %dma_wait3A_661] : memref<32x64xf32, #tpu.memory_space<vmem>> -> memref<1x64xf32, #tpu.memory_space<vmem>>
    %dma_wait3A_663 = arith.constant 0 : i32
    %dma_wait3A_664 = arith.constant 0 : i32
    %dma_wait3A_665 = tpu.memref_slice %arg2[%add3A_163, %dma_wait3A_663, %dma_wait3A_664] : memref<1024x128x64xf32, #tpu.memory_space<hbm>> -> memref<1x1x64xf32, #tpu.memory_space<hbm>>
    %dma_wait3A_666 = tpu.memref_squeeze %dma_wait3A_665 : memref<1x1x64xf32, #tpu.memory_space<hbm>> -> memref<1x64xf32, #tpu.memory_space<hbm>>
    tpu.wait_dma2 semaphore(%arg5 : memref<!tpu.dma_semaphore, #tpu.memory_space<semaphore_mem>>) src(%dma_wait3A_666 : memref<1x64xf32, #tpu.memory_space<hbm>>) dst(%dma_wait3A_662 : memref<1x64xf32, #tpu.memory_space<vmem>>)
    %dma_wait3A_667 = arith.constant 11 : i32
    %dma_wait3A_668 = arith.constant 0 : i32
    %dma_wait3A_669 = tpu.memref_slice %arg4[%dma_wait3A_667, %dma_wait3A_668] : memref<32x64xf32, #tpu.memory_space<vmem>> -> memref<1x64xf32, #tpu.memory_space<vmem>>
    %dma_wait3A_670 = arith.constant 0 : i32
    %dma_wait3A_671 = arith.constant 0 : i32
    %dma_wait3A_672 = tpu.memref_slice %arg2[%add3A_179, %dma_wait3A_670, %dma_wait3A_671] : memref<1024x128x64xf32, #tpu.memory_space<hbm>> -> memref<1x1x64xf32, #tpu.memory_space<hbm>>
    %dma_wait3A_673 = tpu.memref_squeeze %dma_wait3A_672 : memref<1x1x64xf32, #tpu.memory_space<hbm>> -> memref<1x64xf32, #tpu.memory_space<hbm>>
    %dma_wait3A_674 = arith.constant 11 : i32
    %dma_wait3A_675 = arith.constant 0 : i32
    %dma_wait3A_676 = tpu.memref_slice %arg4[%dma_wait3A_674, %dma_wait3A_675] : memref<32x64xf32, #tpu.memory_space<vmem>> -> memref<1x64xf32, #tpu.memory_space<vmem>>
    %dma_wait3A_677 = arith.constant 0 : i32
    %dma_wait3A_678 = arith.constant 0 : i32
    %dma_wait3A_679 = tpu.memref_slice %arg2[%add3A_179, %dma_wait3A_677, %dma_wait3A_678] : memref<1024x128x64xf32, #tpu.memory_space<hbm>> -> memref<1x1x64xf32, #tpu.memory_space<hbm>>
    %dma_wait3A_680 = tpu.memref_squeeze %dma_wait3A_679 : memref<1x1x64xf32, #tpu.memory_space<hbm>> -> memref<1x64xf32, #tpu.memory_space<hbm>>
    tpu.wait_dma2 semaphore(%arg5 : memref<!tpu.dma_semaphore, #tpu.memory_space<semaphore_mem>>) src(%dma_wait3A_680 : memref<1x64xf32, #tpu.memory_space<hbm>>) dst(%dma_wait3A_676 : memref<1x64xf32, #tpu.memory_space<vmem>>)
    %dma_wait3A_681 = arith.constant 12 : i32
    %dma_wait3A_682 = arith.constant 0 : i32
    %dma_wait3A_683 = tpu.memref_slice %arg4[%dma_wait3A_681, %dma_wait3A_682] : memref<32x64xf32, #tpu.memory_space<vmem>> -> memref<1x64xf32, #tpu.memory_space<vmem>>
    %dma_wait3A_684 = arith.constant 0 : i32
    %dma_wait3A_685 = arith.constant 0 : i32
    %dma_wait3A_686 = tpu.memref_slice %arg2[%add3A_195, %dma_wait3A_684, %dma_wait3A_685] : memref<1024x128x64xf32, #tpu.memory_space<hbm>> -> memref<1x1x64xf32, #tpu.memory_space<hbm>>
    %dma_wait3A_687 = tpu.memref_squeeze %dma_wait3A_686 : memref<1x1x64xf32, #tpu.memory_space<hbm>> -> memref<1x64xf32, #tpu.memory_space<hbm>>
    %dma_wait3A_688 = arith.constant 12 : i32
    %dma_wait3A_689 = arith.constant 0 : i32
    %dma_wait3A_690 = tpu.memref_slice %arg4[%dma_wait3A_688, %dma_wait3A_689] : memref<32x64xf32, #tpu.memory_space<vmem>> -> memref<1x64xf32, #tpu.memory_space<vmem>>
    %dma_wait3A_691 = arith.constant 0 : i32
    %dma_wait3A_692 = arith.constant 0 : i32
    %dma_wait3A_693 = tpu.memref_slice %arg2[%add3A_195, %dma_wait3A_691, %dma_wait3A_692] : memref<1024x128x64xf32, #tpu.memory_space<hbm>> -> memref<1x1x64xf32, #tpu.memory_space<hbm>>
    %dma_wait3A_694 = tpu.memref_squeeze %dma_wait3A_693 : memref<1x1x64xf32, #tpu.memory_space<hbm>> -> memref<1x64xf32, #tpu.memory_space<hbm>>
    tpu.wait_dma2 semaphore(%arg5 : memref<!tpu.dma_semaphore, #tpu.memory_space<semaphore_mem>>) src(%dma_wait3A_694 : memref<1x64xf32, #tpu.memory_space<hbm>>) dst(%dma_wait3A_690 : memref<1x64xf32, #tpu.memory_space<vmem>>)
    %dma_wait3A_695 = arith.constant 13 : i32
    %dma_wait3A_696 = arith.constant 0 : i32
    %dma_wait3A_697 = tpu.memref_slice %arg4[%dma_wait3A_695, %dma_wait3A_696] : memref<32x64xf32, #tpu.memory_space<vmem>> -> memref<1x64xf32, #tpu.memory_space<vmem>>
    %dma_wait3A_698 = arith.constant 0 : i32
    %dma_wait3A_699 = arith.constant 0 : i32
    %dma_wait3A_700 = tpu.memref_slice %arg2[%add3A_211, %dma_wait3A_698, %dma_wait3A_699] : memref<1024x128x64xf32, #tpu.memory_space<hbm>> -> memref<1x1x64xf32, #tpu.memory_space<hbm>>
    %dma_wait3A_701 = tpu.memref_squeeze %dma_wait3A_700 : memref<1x1x64xf32, #tpu.memory_space<hbm>> -> memref<1x64xf32, #tpu.memory_space<hbm>>
    %dma_wait3A_702 = arith.constant 13 : i32
    %dma_wait3A_703 = arith.constant 0 : i32
    %dma_wait3A_704 = tpu.memref_slice %arg4[%dma_wait3A_702, %dma_wait3A_703] : memref<32x64xf32, #tpu.memory_space<vmem>> -> memref<1x64xf32, #tpu.memory_space<vmem>>
    %dma_wait3A_705 = arith.constant 0 : i32
    %dma_wait3A_706 = arith.constant 0 : i32
    %dma_wait3A_707 = tpu.memref_slice %arg2[%add3A_211, %dma_wait3A_705, %dma_wait3A_706] : memref<1024x128x64xf32, #tpu.memory_space<hbm>> -> memref<1x1x64xf32, #tpu.memory_space<hbm>>
    %dma_wait3A_708 = tpu.memref_squeeze %dma_wait3A_707 : memref<1x1x64xf32, #tpu.memory_space<hbm>> -> memref<1x64xf32, #tpu.memory_space<hbm>>
    tpu.wait_dma2 semaphore(%arg5 : memref<!tpu.dma_semaphore, #tpu.memory_space<semaphore_mem>>) src(%dma_wait3A_708 : memref<1x64xf32, #tpu.memory_space<hbm>>) dst(%dma_wait3A_704 : memref<1x64xf32, #tpu.memory_space<vmem>>)
    %dma_wait3A_709 = arith.constant 14 : i32
    %dma_wait3A_710 = arith.constant 0 : i32
    %dma_wait3A_711 = tpu.memref_slice %arg4[%dma_wait3A_709, %dma_wait3A_710] : memref<32x64xf32, #tpu.memory_space<vmem>> -> memref<1x64xf32, #tpu.memory_space<vmem>>
    %dma_wait3A_712 = arith.constant 0 : i32
    %dma_wait3A_713 = arith.constant 0 : i32
    %dma_wait3A_714 = tpu.memref_slice %arg2[%add3A_227, %dma_wait3A_712, %dma_wait3A_713] : memref<1024x128x64xf32, #tpu.memory_space<hbm>> -> memref<1x1x64xf32, #tpu.memory_space<hbm>>
    %dma_wait3A_715 = tpu.memref_squeeze %dma_wait3A_714 : memref<1x1x64xf32, #tpu.memory_space<hbm>> -> memref<1x64xf32, #tpu.memory_space<hbm>>
    %dma_wait3A_716 = arith.constant 14 : i32
    %dma_wait3A_717 = arith.constant 0 : i32
    %dma_wait3A_718 = tpu.memref_slice %arg4[%dma_wait3A_716, %dma_wait3A_717] : memref<32x64xf32, #tpu.memory_space<vmem>> -> memref<1x64xf32, #tpu.memory_space<vmem>>
    %dma_wait3A_719 = arith.constant 0 : i32
    %dma_wait3A_720 = arith.constant 0 : i32
    %dma_wait3A_721 = tpu.memref_slice %arg2[%add3A_227, %dma_wait3A_719, %dma_wait3A_720] : memref<1024x128x64xf32, #tpu.memory_space<hbm>> -> memref<1x1x64xf32, #tpu.memory_space<hbm>>
    %dma_wait3A_722 = tpu.memref_squeeze %dma_wait3A_721 : memref<1x1x64xf32, #tpu.memory_space<hbm>> -> memref<1x64xf32, #tpu.memory_space<hbm>>
    tpu.wait_dma2 semaphore(%arg5 : memref<!tpu.dma_semaphore, #tpu.memory_space<semaphore_mem>>) src(%dma_wait3A_722 : memref<1x64xf32, #tpu.memory_space<hbm>>) dst(%dma_wait3A_718 : memref<1x64xf32, #tpu.memory_space<vmem>>)
    %dma_wait3A_723 = arith.constant 15 : i32
    %dma_wait3A_724 = arith.constant 0 : i32
    %dma_wait3A_725 = tpu.memref_slice %arg4[%dma_wait3A_723, %dma_wait3A_724] : memref<32x64xf32, #tpu.memory_space<vmem>> -> memref<1x64xf32, #tpu.memory_space<vmem>>
    %dma_wait3A_726 = arith.constant 0 : i32
    %dma_wait3A_727 = arith.constant 0 : i32
    %dma_wait3A_728 = tpu.memref_slice %arg2[%add3A_243, %dma_wait3A_726, %dma_wait3A_727] : memref<1024x128x64xf32, #tpu.memory_space<hbm>> -> memref<1x1x64xf32, #tpu.memory_space<hbm>>
    %dma_wait3A_729 = tpu.memref_squeeze %dma_wait3A_728 : memref<1x1x64xf32, #tpu.memory_space<hbm>> -> memref<1x64xf32, #tpu.memory_space<hbm>>
    %dma_wait3A_730 = arith.constant 15 : i32
    %dma_wait3A_731 = arith.constant 0 : i32
    %dma_wait3A_732 = tpu.memref_slice %arg4[%dma_wait3A_730, %dma_wait3A_731] : memref<32x64xf32, #tpu.memory_space<vmem>> -> memref<1x64xf32, #tpu.memory_space<vmem>>
    %dma_wait3A_733 = arith.constant 0 : i32
    %dma_wait3A_734 = arith.constant 0 : i32
    %dma_wait3A_735 = tpu.memref_slice %arg2[%add3A_243, %dma_wait3A_733, %dma_wait3A_734] : memref<1024x128x64xf32, #tpu.memory_space<hbm>> -> memref<1x1x64xf32, #tpu.memory_space<hbm>>
    %dma_wait3A_736 = tpu.memref_squeeze %dma_wait3A_735 : memref<1x1x64xf32, #tpu.memory_space<hbm>> -> memref<1x64xf32, #tpu.memory_space<hbm>>
    tpu.wait_dma2 semaphore(%arg5 : memref<!tpu.dma_semaphore, #tpu.memory_space<semaphore_mem>>) src(%dma_wait3A_736 : memref<1x64xf32, #tpu.memory_space<hbm>>) dst(%dma_wait3A_732 : memref<1x64xf32, #tpu.memory_space<vmem>>)
    %dma_wait3A_737 = arith.constant 16 : i32
    %dma_wait3A_738 = arith.constant 0 : i32
    %dma_wait3A_739 = tpu.memref_slice %arg4[%dma_wait3A_737, %dma_wait3A_738] : memref<32x64xf32, #tpu.memory_space<vmem>> -> memref<1x64xf32, #tpu.memory_space<vmem>>
    %dma_wait3A_740 = arith.constant 0 : i32
    %dma_wait3A_741 = arith.constant 0 : i32
    %dma_wait3A_742 = tpu.memref_slice %arg2[%add3A_259, %dma_wait3A_740, %dma_wait3A_741] : memref<1024x128x64xf32, #tpu.memory_space<hbm>> -> memref<1x1x64xf32, #tpu.memory_space<hbm>>
    %dma_wait3A_743 = tpu.memref_squeeze %dma_wait3A_742 : memref<1x1x64xf32, #tpu.memory_space<hbm>> -> memref<1x64xf32, #tpu.memory_space<hbm>>
    %dma_wait3A_744 = arith.constant 16 : i32
    %dma_wait3A_745 = arith.constant 0 : i32
    %dma_wait3A_746 = tpu.memref_slice %arg4[%dma_wait3A_744, %dma_wait3A_745] : memref<32x64xf32, #tpu.memory_space<vmem>> -> memref<1x64xf32, #tpu.memory_space<vmem>>
    %dma_wait3A_747 = arith.constant 0 : i32
    %dma_wait3A_748 = arith.constant 0 : i32
    %dma_wait3A_749 = tpu.memref_slice %arg2[%add3A_259, %dma_wait3A_747, %dma_wait3A_748] : memref<1024x128x64xf32, #tpu.memory_space<hbm>> -> memref<1x1x64xf32, #tpu.memory_space<hbm>>
    %dma_wait3A_750 = tpu.memref_squeeze %dma_wait3A_749 : memref<1x1x64xf32, #tpu.memory_space<hbm>> -> memref<1x64xf32, #tpu.memory_space<hbm>>
    tpu.wait_dma2 semaphore(%arg5 : memref<!tpu.dma_semaphore, #tpu.memory_space<semaphore_mem>>) src(%dma_wait3A_750 : memref<1x64xf32, #tpu.memory_space<hbm>>) dst(%dma_wait3A_746 : memref<1x64xf32, #tpu.memory_space<vmem>>)
    %dma_wait3A_751 = arith.constant 17 : i32
    %dma_wait3A_752 = arith.constant 0 : i32
    %dma_wait3A_753 = tpu.memref_slice %arg4[%dma_wait3A_751, %dma_wait3A_752] : memref<32x64xf32, #tpu.memory_space<vmem>> -> memref<1x64xf32, #tpu.memory_space<vmem>>
    %dma_wait3A_754 = arith.constant 0 : i32
    %dma_wait3A_755 = arith.constant 0 : i32
    %dma_wait3A_756 = tpu.memref_slice %arg2[%add3A_275, %dma_wait3A_754, %dma_wait3A_755] : memref<1024x128x64xf32, #tpu.memory_space<hbm>> -> memref<1x1x64xf32, #tpu.memory_space<hbm>>
    %dma_wait3A_757 = tpu.memref_squeeze %dma_wait3A_756 : memref<1x1x64xf32, #tpu.memory_space<hbm>> -> memref<1x64xf32, #tpu.memory_space<hbm>>
    %dma_wait3A_758 = arith.constant 17 : i32
    %dma_wait3A_759 = arith.constant 0 : i32
    %dma_wait3A_760 = tpu.memref_slice %arg4[%dma_wait3A_758, %dma_wait3A_759] : memref<32x64xf32, #tpu.memory_space<vmem>> -> memref<1x64xf32, #tpu.memory_space<vmem>>
    %dma_wait3A_761 = arith.constant 0 : i32
    %dma_wait3A_762 = arith.constant 0 : i32
    %dma_wait3A_763 = tpu.memref_slice %arg2[%add3A_275, %dma_wait3A_761, %dma_wait3A_762] : memref<1024x128x64xf32, #tpu.memory_space<hbm>> -> memref<1x1x64xf32, #tpu.memory_space<hbm>>
    %dma_wait3A_764 = tpu.memref_squeeze %dma_wait3A_763 : memref<1x1x64xf32, #tpu.memory_space<hbm>> -> memref<1x64xf32, #tpu.memory_space<hbm>>
    tpu.wait_dma2 semaphore(%arg5 : memref<!tpu.dma_semaphore, #tpu.memory_space<semaphore_mem>>) src(%dma_wait3A_764 : memref<1x64xf32, #tpu.memory_space<hbm>>) dst(%dma_wait3A_760 : memref<1x64xf32, #tpu.memory_space<vmem>>)
    %dma_wait3A_765 = arith.constant 18 : i32
    %dma_wait3A_766 = arith.constant 0 : i32
    %dma_wait3A_767 = tpu.memref_slice %arg4[%dma_wait3A_765, %dma_wait3A_766] : memref<32x64xf32, #tpu.memory_space<vmem>> -> memref<1x64xf32, #tpu.memory_space<vmem>>
    %dma_wait3A_768 = arith.constant 0 : i32
    %dma_wait3A_769 = arith.constant 0 : i32
    %dma_wait3A_770 = tpu.memref_slice %arg2[%add3A_291, %dma_wait3A_768, %dma_wait3A_769] : memref<1024x128x64xf32, #tpu.memory_space<hbm>> -> memref<1x1x64xf32, #tpu.memory_space<hbm>>
    %dma_wait3A_771 = tpu.memref_squeeze %dma_wait3A_770 : memref<1x1x64xf32, #tpu.memory_space<hbm>> -> memref<1x64xf32, #tpu.memory_space<hbm>>
    %dma_wait3A_772 = arith.constant 18 : i32
    %dma_wait3A_773 = arith.constant 0 : i32
    %dma_wait3A_774 = tpu.memref_slice %arg4[%dma_wait3A_772, %dma_wait3A_773] : memref<32x64xf32, #tpu.memory_space<vmem>> -> memref<1x64xf32, #tpu.memory_space<vmem>>
    %dma_wait3A_775 = arith.constant 0 : i32
    %dma_wait3A_776 = arith.constant 0 : i32
    %dma_wait3A_777 = tpu.memref_slice %arg2[%add3A_291, %dma_wait3A_775, %dma_wait3A_776] : memref<1024x128x64xf32, #tpu.memory_space<hbm>> -> memref<1x1x64xf32, #tpu.memory_space<hbm>>
    %dma_wait3A_778 = tpu.memref_squeeze %dma_wait3A_777 : memref<1x1x64xf32, #tpu.memory_space<hbm>> -> memref<1x64xf32, #tpu.memory_space<hbm>>
    tpu.wait_dma2 semaphore(%arg5 : memref<!tpu.dma_semaphore, #tpu.memory_space<semaphore_mem>>) src(%dma_wait3A_778 : memref<1x64xf32, #tpu.memory_space<hbm>>) dst(%dma_wait3A_774 : memref<1x64xf32, #tpu.memory_space<vmem>>)
    %dma_wait3A_779 = arith.constant 19 : i32
    %dma_wait3A_780 = arith.constant 0 : i32
    %dma_wait3A_781 = tpu.memref_slice %arg4[%dma_wait3A_779, %dma_wait3A_780] : memref<32x64xf32, #tpu.memory_space<vmem>> -> memref<1x64xf32, #tpu.memory_space<vmem>>
    %dma_wait3A_782 = arith.constant 0 : i32
    %dma_wait3A_783 = arith.constant 0 : i32
    %dma_wait3A_784 = tpu.memref_slice %arg2[%add3A_307, %dma_wait3A_782, %dma_wait3A_783] : memref<1024x128x64xf32, #tpu.memory_space<hbm>> -> memref<1x1x64xf32, #tpu.memory_space<hbm>>
    %dma_wait3A_785 = tpu.memref_squeeze %dma_wait3A_784 : memref<1x1x64xf32, #tpu.memory_space<hbm>> -> memref<1x64xf32, #tpu.memory_space<hbm>>
    %dma_wait3A_786 = arith.constant 19 : i32
    %dma_wait3A_787 = arith.constant 0 : i32
    %dma_wait3A_788 = tpu.memref_slice %arg4[%dma_wait3A_786, %dma_wait3A_787] : memref<32x64xf32, #tpu.memory_space<vmem>> -> memref<1x64xf32, #tpu.memory_space<vmem>>
    %dma_wait3A_789 = arith.constant 0 : i32
    %dma_wait3A_790 = arith.constant 0 : i32
    %dma_wait3A_791 = tpu.memref_slice %arg2[%add3A_307, %dma_wait3A_789, %dma_wait3A_790] : memref<1024x128x64xf32, #tpu.memory_space<hbm>> -> memref<1x1x64xf32, #tpu.memory_space<hbm>>
    %dma_wait3A_792 = tpu.memref_squeeze %dma_wait3A_791 : memref<1x1x64xf32, #tpu.memory_space<hbm>> -> memref<1x64xf32, #tpu.memory_space<hbm>>
    tpu.wait_dma2 semaphore(%arg5 : memref<!tpu.dma_semaphore, #tpu.memory_space<semaphore_mem>>) src(%dma_wait3A_792 : memref<1x64xf32, #tpu.memory_space<hbm>>) dst(%dma_wait3A_788 : memref<1x64xf32, #tpu.memory_space<vmem>>)
    %dma_wait3A_793 = arith.constant 20 : i32
    %dma_wait3A_794 = arith.constant 0 : i32
    %dma_wait3A_795 = tpu.memref_slice %arg4[%dma_wait3A_793, %dma_wait3A_794] : memref<32x64xf32, #tpu.memory_space<vmem>> -> memref<1x64xf32, #tpu.memory_space<vmem>>
    %dma_wait3A_796 = arith.constant 0 : i32
    %dma_wait3A_797 = arith.constant 0 : i32
    %dma_wait3A_798 = tpu.memref_slice %arg2[%add3A_323, %dma_wait3A_796, %dma_wait3A_797] : memref<1024x128x64xf32, #tpu.memory_space<hbm>> -> memref<1x1x64xf32, #tpu.memory_space<hbm>>
    %dma_wait3A_799 = tpu.memref_squeeze %dma_wait3A_798 : memref<1x1x64xf32, #tpu.memory_space<hbm>> -> memref<1x64xf32, #tpu.memory_space<hbm>>
    %dma_wait3A_800 = arith.constant 20 : i32
    %dma_wait3A_801 = arith.constant 0 : i32
    %dma_wait3A_802 = tpu.memref_slice %arg4[%dma_wait3A_800, %dma_wait3A_801] : memref<32x64xf32, #tpu.memory_space<vmem>> -> memref<1x64xf32, #tpu.memory_space<vmem>>
    %dma_wait3A_803 = arith.constant 0 : i32
    %dma_wait3A_804 = arith.constant 0 : i32
    %dma_wait3A_805 = tpu.memref_slice %arg2[%add3A_323, %dma_wait3A_803, %dma_wait3A_804] : memref<1024x128x64xf32, #tpu.memory_space<hbm>> -> memref<1x1x64xf32, #tpu.memory_space<hbm>>
    %dma_wait3A_806 = tpu.memref_squeeze %dma_wait3A_805 : memref<1x1x64xf32, #tpu.memory_space<hbm>> -> memref<1x64xf32, #tpu.memory_space<hbm>>
    tpu.wait_dma2 semaphore(%arg5 : memref<!tpu.dma_semaphore, #tpu.memory_space<semaphore_mem>>) src(%dma_wait3A_806 : memref<1x64xf32, #tpu.memory_space<hbm>>) dst(%dma_wait3A_802 : memref<1x64xf32, #tpu.memory_space<vmem>>)
    %dma_wait3A_807 = arith.constant 21 : i32
    %dma_wait3A_808 = arith.constant 0 : i32
    %dma_wait3A_809 = tpu.memref_slice %arg4[%dma_wait3A_807, %dma_wait3A_808] : memref<32x64xf32, #tpu.memory_space<vmem>> -> memref<1x64xf32, #tpu.memory_space<vmem>>
    %dma_wait3A_810 = arith.constant 0 : i32
    %dma_wait3A_811 = arith.constant 0 : i32
    %dma_wait3A_812 = tpu.memref_slice %arg2[%add3A_339, %dma_wait3A_810, %dma_wait3A_811] : memref<1024x128x64xf32, #tpu.memory_space<hbm>> -> memref<1x1x64xf32, #tpu.memory_space<hbm>>
    %dma_wait3A_813 = tpu.memref_squeeze %dma_wait3A_812 : memref<1x1x64xf32, #tpu.memory_space<hbm>> -> memref<1x64xf32, #tpu.memory_space<hbm>>
    %dma_wait3A_814 = arith.constant 21 : i32
    %dma_wait3A_815 = arith.constant 0 : i32
    %dma_wait3A_816 = tpu.memref_slice %arg4[%dma_wait3A_814, %dma_wait3A_815] : memref<32x64xf32, #tpu.memory_space<vmem>> -> memref<1x64xf32, #tpu.memory_space<vmem>>
    %dma_wait3A_817 = arith.constant 0 : i32
    %dma_wait3A_818 = arith.constant 0 : i32
    %dma_wait3A_819 = tpu.memref_slice %arg2[%add3A_339, %dma_wait3A_817, %dma_wait3A_818] : memref<1024x128x64xf32, #tpu.memory_space<hbm>> -> memref<1x1x64xf32, #tpu.memory_space<hbm>>
    %dma_wait3A_820 = tpu.memref_squeeze %dma_wait3A_819 : memref<1x1x64xf32, #tpu.memory_space<hbm>> -> memref<1x64xf32, #tpu.memory_space<hbm>>
    tpu.wait_dma2 semaphore(%arg5 : memref<!tpu.dma_semaphore, #tpu.memory_space<semaphore_mem>>) src(%dma_wait3A_820 : memref<1x64xf32, #tpu.memory_space<hbm>>) dst(%dma_wait3A_816 : memref<1x64xf32, #tpu.memory_space<vmem>>)
    %dma_wait3A_821 = arith.constant 22 : i32
    %dma_wait3A_822 = arith.constant 0 : i32
    %dma_wait3A_823 = tpu.memref_slice %arg4[%dma_wait3A_821, %dma_wait3A_822] : memref<32x64xf32, #tpu.memory_space<vmem>> -> memref<1x64xf32, #tpu.memory_space<vmem>>
    %dma_wait3A_824 = arith.constant 0 : i32
    %dma_wait3A_825 = arith.constant 0 : i32
    %dma_wait3A_826 = tpu.memref_slice %arg2[%add3A_355, %dma_wait3A_824, %dma_wait3A_825] : memref<1024x128x64xf32, #tpu.memory_space<hbm>> -> memref<1x1x64xf32, #tpu.memory_space<hbm>>
    %dma_wait3A_827 = tpu.memref_squeeze %dma_wait3A_826 : memref<1x1x64xf32, #tpu.memory_space<hbm>> -> memref<1x64xf32, #tpu.memory_space<hbm>>
    %dma_wait3A_828 = arith.constant 22 : i32
    %dma_wait3A_829 = arith.constant 0 : i32
    %dma_wait3A_830 = tpu.memref_slice %arg4[%dma_wait3A_828, %dma_wait3A_829] : memref<32x64xf32, #tpu.memory_space<vmem>> -> memref<1x64xf32, #tpu.memory_space<vmem>>
    %dma_wait3A_831 = arith.constant 0 : i32
    %dma_wait3A_832 = arith.constant 0 : i32
    %dma_wait3A_833 = tpu.memref_slice %arg2[%add3A_355, %dma_wait3A_831, %dma_wait3A_832] : memref<1024x128x64xf32, #tpu.memory_space<hbm>> -> memref<1x1x64xf32, #tpu.memory_space<hbm>>
    %dma_wait3A_834 = tpu.memref_squeeze %dma_wait3A_833 : memref<1x1x64xf32, #tpu.memory_space<hbm>> -> memref<1x64xf32, #tpu.memory_space<hbm>>
    tpu.wait_dma2 semaphore(%arg5 : memref<!tpu.dma_semaphore, #tpu.memory_space<semaphore_mem>>) src(%dma_wait3A_834 : memref<1x64xf32, #tpu.memory_space<hbm>>) dst(%dma_wait3A_830 : memref<1x64xf32, #tpu.memory_space<vmem>>)
    %dma_wait3A_835 = arith.constant 23 : i32
    %dma_wait3A_836 = arith.constant 0 : i32
    %dma_wait3A_837 = tpu.memref_slice %arg4[%dma_wait3A_835, %dma_wait3A_836] : memref<32x64xf32, #tpu.memory_space<vmem>> -> memref<1x64xf32, #tpu.memory_space<vmem>>
    %dma_wait3A_838 = arith.constant 0 : i32
    %dma_wait3A_839 = arith.constant 0 : i32
    %dma_wait3A_840 = tpu.memref_slice %arg2[%add3A_371, %dma_wait3A_838, %dma_wait3A_839] : memref<1024x128x64xf32, #tpu.memory_space<hbm>> -> memref<1x1x64xf32, #tpu.memory_space<hbm>>
    %dma_wait3A_841 = tpu.memref_squeeze %dma_wait3A_840 : memref<1x1x64xf32, #tpu.memory_space<hbm>> -> memref<1x64xf32, #tpu.memory_space<hbm>>
    %dma_wait3A_842 = arith.constant 23 : i32
    %dma_wait3A_843 = arith.constant 0 : i32
    %dma_wait3A_844 = tpu.memref_slice %arg4[%dma_wait3A_842, %dma_wait3A_843] : memref<32x64xf32, #tpu.memory_space<vmem>> -> memref<1x64xf32, #tpu.memory_space<vmem>>
    %dma_wait3A_845 = arith.constant 0 : i32
    %dma_wait3A_846 = arith.constant 0 : i32
    %dma_wait3A_847 = tpu.memref_slice %arg2[%add3A_371, %dma_wait3A_845, %dma_wait3A_846] : memref<1024x128x64xf32, #tpu.memory_space<hbm>> -> memref<1x1x64xf32, #tpu.memory_space<hbm>>
    %dma_wait3A_848 = tpu.memref_squeeze %dma_wait3A_847 : memref<1x1x64xf32, #tpu.memory_space<hbm>> -> memref<1x64xf32, #tpu.memory_space<hbm>>
    tpu.wait_dma2 semaphore(%arg5 : memref<!tpu.dma_semaphore, #tpu.memory_space<semaphore_mem>>) src(%dma_wait3A_848 : memref<1x64xf32, #tpu.memory_space<hbm>>) dst(%dma_wait3A_844 : memref<1x64xf32, #tpu.memory_space<vmem>>)
    %dma_wait3A_849 = arith.constant 24 : i32
    %dma_wait3A_850 = arith.constant 0 : i32
    %dma_wait3A_851 = tpu.memref_slice %arg4[%dma_wait3A_849, %dma_wait3A_850] : memref<32x64xf32, #tpu.memory_space<vmem>> -> memref<1x64xf32, #tpu.memory_space<vmem>>
    %dma_wait3A_852 = arith.constant 0 : i32
    %dma_wait3A_853 = arith.constant 0 : i32
    %dma_wait3A_854 = tpu.memref_slice %arg2[%add3A_387, %dma_wait3A_852, %dma_wait3A_853] : memref<1024x128x64xf32, #tpu.memory_space<hbm>> -> memref<1x1x64xf32, #tpu.memory_space<hbm>>
    %dma_wait3A_855 = tpu.memref_squeeze %dma_wait3A_854 : memref<1x1x64xf32, #tpu.memory_space<hbm>> -> memref<1x64xf32, #tpu.memory_space<hbm>>
    %dma_wait3A_856 = arith.constant 24 : i32
    %dma_wait3A_857 = arith.constant 0 : i32
    %dma_wait3A_858 = tpu.memref_slice %arg4[%dma_wait3A_856, %dma_wait3A_857] : memref<32x64xf32, #tpu.memory_space<vmem>> -> memref<1x64xf32, #tpu.memory_space<vmem>>
    %dma_wait3A_859 = arith.constant 0 : i32
    %dma_wait3A_860 = arith.constant 0 : i32
    %dma_wait3A_861 = tpu.memref_slice %arg2[%add3A_387, %dma_wait3A_859, %dma_wait3A_860] : memref<1024x128x64xf32, #tpu.memory_space<hbm>> -> memref<1x1x64xf32, #tpu.memory_space<hbm>>
    %dma_wait3A_862 = tpu.memref_squeeze %dma_wait3A_861 : memref<1x1x64xf32, #tpu.memory_space<hbm>> -> memref<1x64xf32, #tpu.memory_space<hbm>>
    tpu.wait_dma2 semaphore(%arg5 : memref<!tpu.dma_semaphore, #tpu.memory_space<semaphore_mem>>) src(%dma_wait3A_862 : memref<1x64xf32, #tpu.memory_space<hbm>>) dst(%dma_wait3A_858 : memref<1x64xf32, #tpu.memory_space<vmem>>)
    %dma_wait3A_863 = arith.constant 25 : i32
    %dma_wait3A_864 = arith.constant 0 : i32
    %dma_wait3A_865 = tpu.memref_slice %arg4[%dma_wait3A_863, %dma_wait3A_864] : memref<32x64xf32, #tpu.memory_space<vmem>> -> memref<1x64xf32, #tpu.memory_space<vmem>>
    %dma_wait3A_866 = arith.constant 0 : i32
    %dma_wait3A_867 = arith.constant 0 : i32
    %dma_wait3A_868 = tpu.memref_slice %arg2[%add3A_403, %dma_wait3A_866, %dma_wait3A_867] : memref<1024x128x64xf32, #tpu.memory_space<hbm>> -> memref<1x1x64xf32, #tpu.memory_space<hbm>>
    %dma_wait3A_869 = tpu.memref_squeeze %dma_wait3A_868 : memref<1x1x64xf32, #tpu.memory_space<hbm>> -> memref<1x64xf32, #tpu.memory_space<hbm>>
    %dma_wait3A_870 = arith.constant 25 : i32
    %dma_wait3A_871 = arith.constant 0 : i32
    %dma_wait3A_872 = tpu.memref_slice %arg4[%dma_wait3A_870, %dma_wait3A_871] : memref<32x64xf32, #tpu.memory_space<vmem>> -> memref<1x64xf32, #tpu.memory_space<vmem>>
    %dma_wait3A_873 = arith.constant 0 : i32
    %dma_wait3A_874 = arith.constant 0 : i32
    %dma_wait3A_875 = tpu.memref_slice %arg2[%add3A_403, %dma_wait3A_873, %dma_wait3A_874] : memref<1024x128x64xf32, #tpu.memory_space<hbm>> -> memref<1x1x64xf32, #tpu.memory_space<hbm>>
    %dma_wait3A_876 = tpu.memref_squeeze %dma_wait3A_875 : memref<1x1x64xf32, #tpu.memory_space<hbm>> -> memref<1x64xf32, #tpu.memory_space<hbm>>
    tpu.wait_dma2 semaphore(%arg5 : memref<!tpu.dma_semaphore, #tpu.memory_space<semaphore_mem>>) src(%dma_wait3A_876 : memref<1x64xf32, #tpu.memory_space<hbm>>) dst(%dma_wait3A_872 : memref<1x64xf32, #tpu.memory_space<vmem>>)
    %dma_wait3A_877 = arith.constant 26 : i32
    %dma_wait3A_878 = arith.constant 0 : i32
    %dma_wait3A_879 = tpu.memref_slice %arg4[%dma_wait3A_877, %dma_wait3A_878] : memref<32x64xf32, #tpu.memory_space<vmem>> -> memref<1x64xf32, #tpu.memory_space<vmem>>
    %dma_wait3A_880 = arith.constant 0 : i32
    %dma_wait3A_881 = arith.constant 0 : i32
    %dma_wait3A_882 = tpu.memref_slice %arg2[%add3A_419, %dma_wait3A_880, %dma_wait3A_881] : memref<1024x128x64xf32, #tpu.memory_space<hbm>> -> memref<1x1x64xf32, #tpu.memory_space<hbm>>
    %dma_wait3A_883 = tpu.memref_squeeze %dma_wait3A_882 : memref<1x1x64xf32, #tpu.memory_space<hbm>> -> memref<1x64xf32, #tpu.memory_space<hbm>>
    %dma_wait3A_884 = arith.constant 26 : i32
    %dma_wait3A_885 = arith.constant 0 : i32
    %dma_wait3A_886 = tpu.memref_slice %arg4[%dma_wait3A_884, %dma_wait3A_885] : memref<32x64xf32, #tpu.memory_space<vmem>> -> memref<1x64xf32, #tpu.memory_space<vmem>>
    %dma_wait3A_887 = arith.constant 0 : i32
    %dma_wait3A_888 = arith.constant 0 : i32
    %dma_wait3A_889 = tpu.memref_slice %arg2[%add3A_419, %dma_wait3A_887, %dma_wait3A_888] : memref<1024x128x64xf32, #tpu.memory_space<hbm>> -> memref<1x1x64xf32, #tpu.memory_space<hbm>>
    %dma_wait3A_890 = tpu.memref_squeeze %dma_wait3A_889 : memref<1x1x64xf32, #tpu.memory_space<hbm>> -> memref<1x64xf32, #tpu.memory_space<hbm>>
    tpu.wait_dma2 semaphore(%arg5 : memref<!tpu.dma_semaphore, #tpu.memory_space<semaphore_mem>>) src(%dma_wait3A_890 : memref<1x64xf32, #tpu.memory_space<hbm>>) dst(%dma_wait3A_886 : memref<1x64xf32, #tpu.memory_space<vmem>>)
    %dma_wait3A_891 = arith.constant 27 : i32
    %dma_wait3A_892 = arith.constant 0 : i32
    %dma_wait3A_893 = tpu.memref_slice %arg4[%dma_wait3A_891, %dma_wait3A_892] : memref<32x64xf32, #tpu.memory_space<vmem>> -> memref<1x64xf32, #tpu.memory_space<vmem>>
    %dma_wait3A_894 = arith.constant 0 : i32
    %dma_wait3A_895 = arith.constant 0 : i32
    %dma_wait3A_896 = tpu.memref_slice %arg2[%add3A_435, %dma_wait3A_894, %dma_wait3A_895] : memref<1024x128x64xf32, #tpu.memory_space<hbm>> -> memref<1x1x64xf32, #tpu.memory_space<hbm>>
    %dma_wait3A_897 = tpu.memref_squeeze %dma_wait3A_896 : memref<1x1x64xf32, #tpu.memory_space<hbm>> -> memref<1x64xf32, #tpu.memory_space<hbm>>
    %dma_wait3A_898 = arith.constant 27 : i32
    %dma_wait3A_899 = arith.constant 0 : i32
    %dma_wait3A_900 = tpu.memref_slice %arg4[%dma_wait3A_898, %dma_wait3A_899] : memref<32x64xf32, #tpu.memory_space<vmem>> -> memref<1x64xf32, #tpu.memory_space<vmem>>
    %dma_wait3A_901 = arith.constant 0 : i32
    %dma_wait3A_902 = arith.constant 0 : i32
    %dma_wait3A_903 = tpu.memref_slice %arg2[%add3A_435, %dma_wait3A_901, %dma_wait3A_902] : memref<1024x128x64xf32, #tpu.memory_space<hbm>> -> memref<1x1x64xf32, #tpu.memory_space<hbm>>
    %dma_wait3A_904 = tpu.memref_squeeze %dma_wait3A_903 : memref<1x1x64xf32, #tpu.memory_space<hbm>> -> memref<1x64xf32, #tpu.memory_space<hbm>>
    tpu.wait_dma2 semaphore(%arg5 : memref<!tpu.dma_semaphore, #tpu.memory_space<semaphore_mem>>) src(%dma_wait3A_904 : memref<1x64xf32, #tpu.memory_space<hbm>>) dst(%dma_wait3A_900 : memref<1x64xf32, #tpu.memory_space<vmem>>)
    %dma_wait3A_905 = arith.constant 28 : i32
    %dma_wait3A_906 = arith.constant 0 : i32
    %dma_wait3A_907 = tpu.memref_slice %arg4[%dma_wait3A_905, %dma_wait3A_906] : memref<32x64xf32, #tpu.memory_space<vmem>> -> memref<1x64xf32, #tpu.memory_space<vmem>>
    %dma_wait3A_908 = arith.constant 0 : i32
    %dma_wait3A_909 = arith.constant 0 : i32
    %dma_wait3A_910 = tpu.memref_slice %arg2[%add3A_451, %dma_wait3A_908, %dma_wait3A_909] : memref<1024x128x64xf32, #tpu.memory_space<hbm>> -> memref<1x1x64xf32, #tpu.memory_space<hbm>>
    %dma_wait3A_911 = tpu.memref_squeeze %dma_wait3A_910 : memref<1x1x64xf32, #tpu.memory_space<hbm>> -> memref<1x64xf32, #tpu.memory_space<hbm>>
    %dma_wait3A_912 = arith.constant 28 : i32
    %dma_wait3A_913 = arith.constant 0 : i32
    %dma_wait3A_914 = tpu.memref_slice %arg4[%dma_wait3A_912, %dma_wait3A_913] : memref<32x64xf32, #tpu.memory_space<vmem>> -> memref<1x64xf32, #tpu.memory_space<vmem>>
    %dma_wait3A_915 = arith.constant 0 : i32
    %dma_wait3A_916 = arith.constant 0 : i32
    %dma_wait3A_917 = tpu.memref_slice %arg2[%add3A_451, %dma_wait3A_915, %dma_wait3A_916] : memref<1024x128x64xf32, #tpu.memory_space<hbm>> -> memref<1x1x64xf32, #tpu.memory_space<hbm>>
    %dma_wait3A_918 = tpu.memref_squeeze %dma_wait3A_917 : memref<1x1x64xf32, #tpu.memory_space<hbm>> -> memref<1x64xf32, #tpu.memory_space<hbm>>
    tpu.wait_dma2 semaphore(%arg5 : memref<!tpu.dma_semaphore, #tpu.memory_space<semaphore_mem>>) src(%dma_wait3A_918 : memref<1x64xf32, #tpu.memory_space<hbm>>) dst(%dma_wait3A_914 : memref<1x64xf32, #tpu.memory_space<vmem>>)
    %dma_wait3A_919 = arith.constant 29 : i32
    %dma_wait3A_920 = arith.constant 0 : i32
    %dma_wait3A_921 = tpu.memref_slice %arg4[%dma_wait3A_919, %dma_wait3A_920] : memref<32x64xf32, #tpu.memory_space<vmem>> -> memref<1x64xf32, #tpu.memory_space<vmem>>
    %dma_wait3A_922 = arith.constant 0 : i32
    %dma_wait3A_923 = arith.constant 0 : i32
    %dma_wait3A_924 = tpu.memref_slice %arg2[%add3A_467, %dma_wait3A_922, %dma_wait3A_923] : memref<1024x128x64xf32, #tpu.memory_space<hbm>> -> memref<1x1x64xf32, #tpu.memory_space<hbm>>
    %dma_wait3A_925 = tpu.memref_squeeze %dma_wait3A_924 : memref<1x1x64xf32, #tpu.memory_space<hbm>> -> memref<1x64xf32, #tpu.memory_space<hbm>>
    %dma_wait3A_926 = arith.constant 29 : i32
    %dma_wait3A_927 = arith.constant 0 : i32
    %dma_wait3A_928 = tpu.memref_slice %arg4[%dma_wait3A_926, %dma_wait3A_927] : memref<32x64xf32, #tpu.memory_space<vmem>> -> memref<1x64xf32, #tpu.memory_space<vmem>>
    %dma_wait3A_929 = arith.constant 0 : i32
    %dma_wait3A_930 = arith.constant 0 : i32
    %dma_wait3A_931 = tpu.memref_slice %arg2[%add3A_467, %dma_wait3A_929, %dma_wait3A_930] : memref<1024x128x64xf32, #tpu.memory_space<hbm>> -> memref<1x1x64xf32, #tpu.memory_space<hbm>>
    %dma_wait3A_932 = tpu.memref_squeeze %dma_wait3A_931 : memref<1x1x64xf32, #tpu.memory_space<hbm>> -> memref<1x64xf32, #tpu.memory_space<hbm>>
    tpu.wait_dma2 semaphore(%arg5 : memref<!tpu.dma_semaphore, #tpu.memory_space<semaphore_mem>>) src(%dma_wait3A_932 : memref<1x64xf32, #tpu.memory_space<hbm>>) dst(%dma_wait3A_928 : memref<1x64xf32, #tpu.memory_space<vmem>>)
    %dma_wait3A_933 = arith.constant 30 : i32
    %dma_wait3A_934 = arith.constant 0 : i32
    %dma_wait3A_935 = tpu.memref_slice %arg4[%dma_wait3A_933, %dma_wait3A_934] : memref<32x64xf32, #tpu.memory_space<vmem>> -> memref<1x64xf32, #tpu.memory_space<vmem>>
    %dma_wait3A_936 = arith.constant 0 : i32
    %dma_wait3A_937 = arith.constant 0 : i32
    %dma_wait3A_938 = tpu.memref_slice %arg2[%add3A_483, %dma_wait3A_936, %dma_wait3A_937] : memref<1024x128x64xf32, #tpu.memory_space<hbm>> -> memref<1x1x64xf32, #tpu.memory_space<hbm>>
    %dma_wait3A_939 = tpu.memref_squeeze %dma_wait3A_938 : memref<1x1x64xf32, #tpu.memory_space<hbm>> -> memref<1x64xf32, #tpu.memory_space<hbm>>
    %dma_wait3A_940 = arith.constant 30 : i32
    %dma_wait3A_941 = arith.constant 0 : i32
    %dma_wait3A_942 = tpu.memref_slice %arg4[%dma_wait3A_940, %dma_wait3A_941] : memref<32x64xf32, #tpu.memory_space<vmem>> -> memref<1x64xf32, #tpu.memory_space<vmem>>
    %dma_wait3A_943 = arith.constant 0 : i32
    %dma_wait3A_944 = arith.constant 0 : i32
    %dma_wait3A_945 = tpu.memref_slice %arg2[%add3A_483, %dma_wait3A_943, %dma_wait3A_944] : memref<1024x128x64xf32, #tpu.memory_space<hbm>> -> memref<1x1x64xf32, #tpu.memory_space<hbm>>
    %dma_wait3A_946 = tpu.memref_squeeze %dma_wait3A_945 : memref<1x1x64xf32, #tpu.memory_space<hbm>> -> memref<1x64xf32, #tpu.memory_space<hbm>>
    tpu.wait_dma2 semaphore(%arg5 : memref<!tpu.dma_semaphore, #tpu.memory_space<semaphore_mem>>) src(%dma_wait3A_946 : memref<1x64xf32, #tpu.memory_space<hbm>>) dst(%dma_wait3A_942 : memref<1x64xf32, #tpu.memory_space<vmem>>)
    %dma_wait3A_947 = arith.constant 31 : i32
    %dma_wait3A_948 = arith.constant 0 : i32
    %dma_wait3A_949 = tpu.memref_slice %arg4[%dma_wait3A_947, %dma_wait3A_948] : memref<32x64xf32, #tpu.memory_space<vmem>> -> memref<1x64xf32, #tpu.memory_space<vmem>>
    %dma_wait3A_950 = arith.constant 0 : i32
    %dma_wait3A_951 = arith.constant 0 : i32
    %dma_wait3A_952 = tpu.memref_slice %arg2[%add3A_499, %dma_wait3A_950, %dma_wait3A_951] : memref<1024x128x64xf32, #tpu.memory_space<hbm>> -> memref<1x1x64xf32, #tpu.memory_space<hbm>>
    %dma_wait3A_953 = tpu.memref_squeeze %dma_wait3A_952 : memref<1x1x64xf32, #tpu.memory_space<hbm>> -> memref<1x64xf32, #tpu.memory_space<hbm>>
    %dma_wait3A_954 = arith.constant 31 : i32
    %dma_wait3A_955 = arith.constant 0 : i32
    %dma_wait3A_956 = tpu.memref_slice %arg4[%dma_wait3A_954, %dma_wait3A_955] : memref<32x64xf32, #tpu.memory_space<vmem>> -> memref<1x64xf32, #tpu.memory_space<vmem>>
    %dma_wait3A_957 = arith.constant 0 : i32
    %dma_wait3A_958 = arith.constant 0 : i32
    %dma_wait3A_959 = tpu.memref_slice %arg2[%add3A_499, %dma_wait3A_957, %dma_wait3A_958] : memref<1024x128x64xf32, #tpu.memory_space<hbm>> -> memref<1x1x64xf32, #tpu.memory_space<hbm>>
    %dma_wait3A_960 = tpu.memref_squeeze %dma_wait3A_959 : memref<1x1x64xf32, #tpu.memory_space<hbm>> -> memref<1x64xf32, #tpu.memory_space<hbm>>
    tpu.wait_dma2 semaphore(%arg5 : memref<!tpu.dma_semaphore, #tpu.memory_space<semaphore_mem>>) src(%dma_wait3A_960 : memref<1x64xf32, #tpu.memory_space<hbm>>) dst(%dma_wait3A_956 : memref<1x64xf32, #tpu.memory_space<vmem>>)
    "tpu.region"() ({
      %run_scoped3A = tpu.sem_alloc : memref<!tpu.dma_semaphore, #tpu.memory_space<semaphore_mem>>
      %dma_start3A_961 = arith.constant 0 : i32
      %dma_start3A_962 = tpu.memref_slice %arg3[%mul3A_2, %dma_start3A_961] : memref<1024x64xf32, #tpu.memory_space<hbm>> -> memref<32x64xf32, #tpu.memory_space<hbm>>
      %dma_start3A_963 = arith.constant 0 : i32
      %dma_start3A_964 = tpu.memref_slice %arg3[%mul3A_2, %dma_start3A_963] : memref<1024x64xf32, #tpu.memory_space<hbm>> -> memref<32x64xf32, #tpu.memory_space<hbm>>
      tpu.enqueue_dma source(%arg4 : memref<32x64xf32, #tpu.memory_space<vmem>>) target(%dma_start3A_964 : memref<32x64xf32, #tpu.memory_space<hbm>>) target_semaphore(%run_scoped3A : memref<!tpu.dma_semaphore, #tpu.memory_space<semaphore_mem>>)
      %dma_wait3A_965 = arith.constant 0 : i32
      %dma_wait3A_966 = tpu.memref_slice %arg3[%mul3A_2, %dma_wait3A_965] : memref<1024x64xf32, #tpu.memory_space<hbm>> -> memref<32x64xf32, #tpu.memory_space<hbm>>
      %dma_wait3A_967 = arith.constant 0 : i32
      %dma_wait3A_968 = tpu.memref_slice %arg3[%mul3A_2, %dma_wait3A_967] : memref<1024x64xf32, #tpu.memory_space<hbm>> -> memref<32x64xf32, #tpu.memory_space<hbm>>
      tpu.wait_dma2 semaphore(%run_scoped3A : memref<!tpu.dma_semaphore, #tpu.memory_space<semaphore_mem>>) src(%arg4 : memref<32x64xf32, #tpu.memory_space<vmem>>) dst(%dma_wait3A_968 : memref<32x64xf32, #tpu.memory_space<hbm>>)
      tpu.yield
    }) : () -> ()
    return
  }
}

module attributes {stable_mosaic.version = 14 : i64} {
  func.func @_xattn_kernel(%arg0: memref<1024x1024xf32, #tpu.memory_space<vmem>>, %arg1: memref<1024x64xf32, #tpu.memory_space<vmem>>, %arg2: memref<64x64xf32, #tpu.memory_space<vmem>>, %arg3: memref<64x64xf32, #tpu.memory_space<vmem>>, %arg4: memref<1x64xf32, #tpu.memory_space<vmem>>, %arg5: memref<1x64xf32, #tpu.memory_space<vmem>>, %arg6: memref<1x64xf32, #tpu.memory_space<vmem>>, %arg7: memref<1024x1xf32, #tpu.memory_space<vmem>>) attributes {dimension_semantics = [], scalar_prefetch = 0 : i64, scratch_operands = 0 : i64, tpu.core_type = #tpu.core_type<tc>} {
    %get3A = arith.constant 0 : index
    %get3A_0 = arith.constant 0 : index
    %get3A_1 = vector.load %arg1[%get3A, %get3A_0] : memref<1024x64xf32, #tpu.memory_space<vmem>>, vector<1024x64xf32>
    %get3A_2 = arith.constant 0 : index
    %get3A_3 = arith.constant 0 : index
    %get3A_4 = vector.load %arg2[%get3A_2, %get3A_3] : memref<64x64xf32, #tpu.memory_space<vmem>>, vector<64x64xf32>
    %dot_general3A = arith.constant dense<0.000000e+00> : vector<1024x64xf32>
    %dot_general3A_5 = tpu.matmul %get3A_1, %get3A_4, %dot_general3A {dimension_numbers = #tpu.dot_dimension_numbers<[1], [0], [0], [1], [0, 0, 1, 1], [], []>, transpose_lhs_hint = false} : vector<1024x64xf32>, vector<64x64xf32>, vector<1024x64xf32> -> vector<1024x64xf32>
    %broadcast_in_dim3A = arith.constant 1.000000e+00 : f32
    %broadcast_in_dim3A_6 = vector.broadcast %broadcast_in_dim3A : f32 to vector<1024x1xf32>
    %concatenate3A = tpu.concatenate %dot_general3A_5, %broadcast_in_dim3A_6 in 1 : vector<1024x64xf32>, vector<1024x1xf32> -> vector<1024x65xf32>
    %get3A_7 = arith.constant 0 : index
    %get3A_8 = arith.constant 0 : index
    %get3A_9 = vector.load %arg0[%get3A_7, %get3A_8] : memref<1024x1024xf32, #tpu.memory_space<vmem>>, vector<1024x1024xf32>
    %ne3A = arith.constant 0.000000e+00 : f32
    %ne3A_10 = vector.broadcast %ne3A : f32 to vector<1024x1024xf32>
    %ne3A_11 = arith.cmpf one, %get3A_9, %ne3A_10 : vector<1024x1024xf32>
    %convert_element_type3A = arith.extui %ne3A_11 : vector<1024x1024xi1> to vector<1024x1024xi32>
    %convert_element_type3A_12 = arith.sitofp %convert_element_type3A : vector<1024x1024xi32> to vector<1024x1024xf32>
    %dot_general3A_13 = arith.constant dense<0.000000e+00> : vector<1024x65xf32>
    %dot_general3A_14 = tpu.matmul %convert_element_type3A_12, %concatenate3A, %dot_general3A_13 {dimension_numbers = #tpu.dot_dimension_numbers<[0], [0], [1], [1], [0, 1, 1, 1], [], []>, transpose_lhs_hint = false} : vector<1024x1024xf32>, vector<1024x65xf32>, vector<1024x65xf32> -> vector<1024x65xf32>
    %slice3A = vector.extract_strided_slice %dot_general3A_14 {offsets = [0, 0], sizes = [1024, 64], strides = [1, 1]} : vector<1024x65xf32> to vector<1024x64xf32>
    %slice3A_15 = vector.extract_strided_slice %dot_general3A_14 {offsets = [0, 64], sizes = [1024, 1], strides = [1, 1]} : vector<1024x65xf32> to vector<1024x1xf32>
    %max3A = arith.constant 1.000000e+00 : f32
    %max3A_16 = vector.broadcast %max3A : f32 to vector<1024x1xf32>
    %max3A_17 = arith.maximumf %slice3A_15, %max3A_16 : vector<1024x1xf32>
    %div3A = vector.broadcast %max3A_17 : vector<1024x1xf32> to vector<1024x64xf32>
    %div3A_18 = arith.divf %slice3A, %div3A : vector<1024x64xf32>
    %mul3A = arith.constant 5.000000e-01 : f32
    %mul3A_19 = vector.broadcast %mul3A : f32 to vector<1024x64xf32>
    %mul3A_20 = arith.mulf %mul3A_19, %div3A_18 : vector<1024x64xf32>
    %mul3A_21 = arith.constant 0.707106769 : f32
    %mul3A_22 = vector.broadcast %mul3A_21 : f32 to vector<1024x64xf32>
    %mul3A_23 = arith.mulf %div3A_18, %mul3A_22 : vector<1024x64xf32>
    %erf3A = math.erf %mul3A_23 : vector<1024x64xf32>
    %add3A = arith.constant 1.000000e+00 : f32
    %add3A_24 = vector.broadcast %add3A : f32 to vector<1024x64xf32>
    %add3A_25 = arith.addf %add3A_24, %erf3A : vector<1024x64xf32>
    %mul3A_26 = arith.mulf %mul3A_20, %add3A_25 : vector<1024x64xf32>
    %get3A_27 = arith.constant 0 : index
    %get3A_28 = arith.constant 0 : index
    %get3A_29 = vector.load %arg3[%get3A_27, %get3A_28] : memref<64x64xf32, #tpu.memory_space<vmem>>, vector<64x64xf32>
    %dot_general3A_30 = arith.constant dense<0.000000e+00> : vector<1024x64xf32>
    %dot_general3A_31 = tpu.matmul %mul3A_26, %get3A_29, %dot_general3A_30 {dimension_numbers = #tpu.dot_dimension_numbers<[1], [1], [0], [0], [0, 0, 1, 0], [], []>, transpose_lhs_hint = false} : vector<1024x64xf32>, vector<64x64xf32>, vector<1024x64xf32> -> vector<1024x64xf32>
    %mul3A_32 = arith.constant 5.000000e-01 : f32
    %mul3A_33 = vector.broadcast %mul3A_32 : f32 to vector<1024x64xf32>
    %mul3A_34 = arith.mulf %mul3A_33, %dot_general3A_31 : vector<1024x64xf32>
    %mul3A_35 = arith.constant 0.707106769 : f32
    %mul3A_36 = vector.broadcast %mul3A_35 : f32 to vector<1024x64xf32>
    %mul3A_37 = arith.mulf %dot_general3A_31, %mul3A_36 : vector<1024x64xf32>
    %erf3A_38 = math.erf %mul3A_37 : vector<1024x64xf32>
    %add3A_39 = arith.constant 1.000000e+00 : f32
    %add3A_40 = vector.broadcast %add3A_39 : f32 to vector<1024x64xf32>
    %add3A_41 = arith.addf %add3A_40, %erf3A_38 : vector<1024x64xf32>
    %mul3A_42 = arith.mulf %mul3A_34, %add3A_41 : vector<1024x64xf32>
    %reduce_sum3A = arith.constant dense<0.000000e+00> : vector<1024xf32>
    %reduce_sum3A_43 = vector.multi_reduction <add>, %mul3A_42, %reduce_sum3A [1] : vector<1024x64xf32> to vector<1024xf32>
    %broadcast_in_dim3A_44 = vector.shape_cast %reduce_sum3A_43 : vector<1024xf32> to vector<1024x1xf32>
    %div3A_45 = arith.constant 6.400000e+01 : f32
    %div3A_46 = vector.broadcast %div3A_45 : f32 to vector<1024x1xf32>
    %div3A_47 = arith.divf %broadcast_in_dim3A_44, %div3A_46 : vector<1024x1xf32>
    %sub3A = vector.broadcast %div3A_47 : vector<1024x1xf32> to vector<1024x64xf32>
    %sub3A_48 = arith.subf %mul3A_42, %sub3A : vector<1024x64xf32>
    %integer_pow3A = arith.mulf %sub3A_48, %sub3A_48 : vector<1024x64xf32>
    %reduce_sum3A_49 = arith.constant dense<0.000000e+00> : vector<1024xf32>
    %reduce_sum3A_50 = vector.multi_reduction <add>, %integer_pow3A, %reduce_sum3A_49 [1] : vector<1024x64xf32> to vector<1024xf32>
    %broadcast_in_dim3A_51 = vector.shape_cast %reduce_sum3A_50 : vector<1024xf32> to vector<1024x1xf32>
    %div3A_52 = arith.constant 6.400000e+01 : f32
    %div3A_53 = vector.broadcast %div3A_52 : f32 to vector<1024x1xf32>
    %div3A_54 = arith.divf %broadcast_in_dim3A_51, %div3A_53 : vector<1024x1xf32>
    %sub3A_55 = vector.broadcast %div3A_47 : vector<1024x1xf32> to vector<1024x64xf32>
    %sub3A_56 = arith.subf %mul3A_42, %sub3A_55 : vector<1024x64xf32>
    %add3A_57 = arith.constant 9.99999974E-6 : f32
    %add3A_58 = vector.broadcast %add3A_57 : f32 to vector<1024x1xf32>
    %add3A_59 = arith.addf %div3A_54, %add3A_58 : vector<1024x1xf32>
    %sqrt3A = math.sqrt %add3A_59 : vector<1024x1xf32>
    %div3A_60 = vector.broadcast %sqrt3A : vector<1024x1xf32> to vector<1024x64xf32>
    %div3A_61 = arith.divf %sub3A_56, %div3A_60 : vector<1024x64xf32>
    %get3A_62 = arith.constant 0 : index
    %get3A_63 = arith.constant 0 : index
    %get3A_64 = vector.load %arg4[%get3A_62, %get3A_63] : memref<1x64xf32, #tpu.memory_space<vmem>>, vector<1x64xf32>
    %mul3A_65 = vector.broadcast %get3A_64 : vector<1x64xf32> to vector<1024x64xf32>
    %mul3A_66 = arith.mulf %div3A_61, %mul3A_65 : vector<1024x64xf32>
    %get3A_67 = arith.constant 0 : index
    %get3A_68 = arith.constant 0 : index
    %get3A_69 = vector.load %arg5[%get3A_67, %get3A_68] : memref<1x64xf32, #tpu.memory_space<vmem>>, vector<1x64xf32>
    %add3A_70 = vector.broadcast %get3A_69 : vector<1x64xf32> to vector<1024x64xf32>
    %add3A_71 = arith.addf %mul3A_66, %add3A_70 : vector<1024x64xf32>
    %get3A_72 = arith.constant 0 : index
    %get3A_73 = arith.constant 0 : index
    %get3A_74 = vector.load %arg6[%get3A_72, %get3A_73] : memref<1x64xf32, #tpu.memory_space<vmem>>, vector<1x64xf32>
    %dot_general3A_75 = arith.constant dense<0.000000e+00> : vector<1024x1xf32>
    %dot_general3A_76 = tpu.matmul %add3A_71, %get3A_74, %dot_general3A_75 {dimension_numbers = #tpu.dot_dimension_numbers<[1], [1], [0], [0], [0, 0, 1, 0], [], []>, transpose_lhs_hint = false} : vector<1024x64xf32>, vector<1x64xf32>, vector<1024x1xf32> -> vector<1024x1xf32>
    %swap3A = arith.constant 0 : index
    %swap3A_77 = arith.constant 0 : index
    %swap3A_78 = vector.load %arg7[%swap3A, %swap3A_77] : memref<1024x1xf32, #tpu.memory_space<vmem>>, vector<1024x1xf32>
    tpu.vector_store %arg7[%swap3A, %swap3A_77], %dot_general3A_76 {strides = array<i32>} : memref<1024x1xf32, #tpu.memory_space<vmem>>, vector<1024x1xf32>,
    return
  }
}

</mosaic_0001>

<sc_bundles>
// kernel: kernel.4.cloned.1.call-start
scs
__scs_entry_jumppad:
0x0: {  	(pc) =	sbr.rel $0x88, $3  }
0x1: {  	(tag) =	ssettag $0x0;
	lr =	simm.s32 $0x1  }
0x2: {  	[smem:$0x3F9A] =	sst lr;
	_ =	strace $0xD0000000  }
0x3: {  	_ = 	snop  }
0x4: {  	_ = 	snop  }
0x5: {  	_ = 	snop  }
0x6: {  	_ = 	snop  }
0x7: {  	_ = 	snop  }
__scs_overlays_trampoline_lowered:
0x8: {  	[smem:$0x3FA9] =	sst s0  }
0x9: {  	[smem:$0x3FAA] =	sst s1  }
0xa: {  	[smem:$0x3FAB] =	sst s2  }
0xb: {  	[smem:$0x3FAC] =	sst s3  }
0xc: {  	[smem:$0x3FAD] =	sst s4  }
0xd: {  	[smem:$0x3FAE] =	sst s5  }
0xe: {  	[smem:$0x3FAF] =	sst s6  }
0xf: {  	[smem:$0x3FB0] =	sst s7  }
0x10: {  	[smem:$0x3FB1] =	sst s8  }
0x11: {  	[smem:$0x3FB2] =	sst s9;
	s0 =	simm.s32 @!p0 $0x0  }
0x12: {  	s1 =	sld [smem:$0x3F98];
	s0 =	simm.s32 @p0 $0x1  }
0x13: {  	[smem:$0x3FB3] =	sst s0;
	s0 =	simm.s32 @!p1 $0x0  }
0x14: {  	s2 =	sld [smem:$0x3F97];
	s0 =	simm.s32 @p1 $0x1  }
0x15: {  	[smem:$0x3FB4] =	sst s0;
	s0 =	simm.s32 @!p2 $0x0  }
0x16: {  	s3 =	sld [smem:$0x3FDB];
	s0 =	simm.s32 @p2 $0x1  }
0x17: {  	s4 =	simm.s32 $0x1BF5;
	[smem:$0x3FB6] =	sst s0  }
0x18: {  	s0 =	sld [smem:$0x3F99];
	_ =	swait.ge [sflag:s4], $0x0  }
0x19: {  	s7 =	sld [smem:$0x3F9A]  }
0x1a: {  	s8 =	sadd.s32 $0xFFFFE003, lr  }
0x1b: {  	s9 =	sadd.s32 $0xFFFFFEF7, lr;
	s5 =	simm.s32 $0xFFFFFFFF;
	p2 =	slt.u32 s8, $0xFFFFF086  }
0x1c: {  	p1 =	slt.u32 s9, $0xF7A;
	s5 =	simm.s32 @!p2 $0x0  }
0x1d: {  	s5 =	simm.s32 @p1 $0x1;
	p0 =	seq.s32 s7, s2  }
0x1e: {  	s7 =	smul.u32 @!p0 $0xF7A, s2;
	p2 =	seq.s32 @!p0 s5, $0x0  }
0x1f: {  	s9 =	smul.u32 $0xF7A, s1;
	s8 =	simm.s32 @!p0 $0x1BF5;
	p2 =	por !p2, p0  }
0x20: {  	[sflag:s8] =	ssyncset.s32 @!p0 $0xFFFFF086;
	s6 =	sadd.s32 @!p0 s3, s7;
	s7 =	simm.s32 @!p0 $0x108  }
0x21: {  	s3 =	sadd.s32 s3, s9;
	s6 =	sadd.s32 @!p0 $0x88, s6;
	s7 =	simm.s32 @p2 $0x1082  }
0x22: {  	[simem:s7], [sflag:s8] =	dma.local @!p0 [hbm:s6], $0xF7A  }
0x23: {  	s9 =	sor.u32 $0xD0000000, s2;
	s6 =	simm.s32 $0x108;
	_ =	swait.ge @!p0 [sflag:s8], $0x0  }
0x24: {  	s3 =	sadd.s32 $0x88, s3;
	s6 =	simm.s32 @!p1 $0x1082;
	[sflag:s4] =	ssyncset.s32 $0xFFFFF086  }
0x25: {  	[simem:s6], [sflag:s4] =	dma.local [hbm:s3], $0xF7A  }
0x26: {  	[smem:$0x3F9A] =	sst s1;
	(tag) =	ssettag s2;
	_ =	strace s9  }
0x27: {  	s1 =	sld [smem:$0x3FAA]  }
0x28: {  	s2 =	sld [smem:$0x3FAB]  }
0x29: {  	s4 =	sld [smem:$0x3FAD]  }
0x2a: {  	p0 =	seq.s32 s5, $0x0;
	s5 =	sld [smem:$0x3FAE]  }
0x2b: {  	s6 =	sld [smem:$0x3FAF]  }
0x2c: {  	s7 =	sld [smem:$0x3FB0]  }
0x2d: {  	s3 =	simm.s32 $0x108;
	s8 =	sld [smem:$0x3FB1]  }
0x2e: {  	s3 =	simm.s32 @!p0 $0x1082;
	s9 =	sld [smem:$0x3FB2]  }
0x2f: {  	lr =	sadd.s32 s0, s3;
	s0 =	sld [smem:$0x3FA9]  }
0x30: {  	s3 =	sld [smem:$0x3FAC]  }
0x31: {  	[smem:$0x3FB5] =	sst s10  }
0x32: {  	s10 =	sld [smem:$0x3FB3];
	_ =	sdelay $0x3  }
0x33: {  	p0 =	seq.s32 s10, $0x1;
	s10 =	sld [smem:$0x3FB5];
	_ =	sdelay $0x3  }
0x34: {  	[smem:$0x3FB5] =	sst s10  }
0x35: {  	s10 =	sld [smem:$0x3FB4];
	_ =	sdelay $0x3  }
0x36: {  	p1 =	seq.s32 s10, $0x1;
	s10 =	sld [smem:$0x3FB5];
	_ =	sdelay $0x3  }
0x37: {  	[smem:$0x3FB5] =	sst s10  }
0x38: {  	s10 =	sld [smem:$0x3FB6]  }
0x39: {  	_ = 	snop;
	(pc) =	sbr.ind lr, $3  }
0x3a: {  	_ = 	snop  }
0x3b: {  	_ = 	snop  }
0x3c: {  	p2 =	seq.s32 s10, $0x1;
	s10 =	sld [smem:$0x3FB5]  }
0x3d: {  	_ =	shalt  }
0x3e: {  	_ =	shalt  }
0x3f: {  	_ =	shalt  }
0x40: {  	_ =	shalt  }
0x41: {  	_ =	shalt  }
0x42: {  	_ =	shalt  }
0x43: {  	_ =	shalt  }
0x44: {  	_ =	shalt  }
0x45: {  	_ =	shalt  }
0x46: {  	_ =	shalt  }
0x47: {  	_ =	shalt  }
0x48: {  	_ =	shalt  }
0x49: {  	_ =	shalt  }
0x4a: {  	_ =	shalt  }
0x4b: {  	_ =	shalt  }
0x4c: {  	_ =	shalt  }
0x4d: {  	_ =	shalt  }
0x4e: {  	_ =	shalt  }
0x4f: {  	_ =	shalt  }
0x50: {  	_ =	shalt  }
0x51: {  	_ =	shalt  }
0x52: {  	_ =	shalt  }
0x53: {  	_ =	shalt  }
0x54: {  	_ =	shalt  }
0x55: {  	_ =	shalt  }
0x56: {  	_ =	shalt  }
0x57: {  	_ =	shalt  }
0x58: {  	_ =	shalt  }
0x59: {  	_ =	shalt  }
0x5a: {  	_ =	shalt  }
0x5b: {  	_ =	shalt  }
0x5c: {  	_ =	shalt  }
0x5d: {  	_ =	shalt  }
0x5e: {  	_ =	shalt  }
0x5f: {  	_ =	shalt  }
0x60: {  	_ =	shalt  }
0x61: {  	_ =	shalt  }
0x62: {  	_ =	shalt  }
0x63: {  	_ =	shalt  }
0x64: {  	_ =	shalt  }
0x65: {  	_ =	shalt  }
0x66: {  	_ =	shalt  }
0x67: {  	_ =	shalt  }
0x68: {  	_ =	shalt  }
0x69: {  	_ =	shalt  }
0x6a: {  	_ =	shalt  }
0x6b: {  	_ =	shalt  }
0x6c: {  	_ =	shalt  }
0x6d: {  	_ =	shalt  }
0x6e: {  	_ =	shalt  }
0x6f: {  	_ =	shalt  }
0x70: {  	_ =	shalt  }
0x71: {  	_ =	shalt  }
0x72: {  	_ =	shalt  }
0x73: {  	_ =	shalt  }
0x74: {  	_ =	shalt  }
0x75: {  	_ =	shalt  }
0x76: {  	_ =	shalt  }
0x77: {  	_ =	shalt  }
0x78: {  	_ =	shalt  }
0x79: {  	_ =	shalt  }
0x7a: {  	_ =	shalt  }
0x7b: {  	_ =	shalt  }
0x7c: {  	_ =	shalt  }
0x7d: {  	_ =	shalt  }
0x7e: {  	_ =	shalt  }
0x7f: {  	_ =	shalt  }
0x80: {  	_ =	shalt  }
0x81: {  	_ =	shalt  }
0x82: {  	_ =	shalt  }
0x83: {  	_ =	shalt  }
0x84: {  	_ =	shalt  }
0x85: {  	_ =	shalt  }
0x86: {  	_ =	shalt  }
0x87: {  	_ =	shalt  }
.Lfunc_end0:
.L_simem_size_0:
called_computation_lowered:
.L_overlay_start_0:
0x88: {  	s2 =	sld [smem:$0x3FD9]  }
0x89: {  	s3 =	sld [smem:$0x3FFE];
	_ =	sdelay $0x1  }
0x8a: {  	s1 =	srdreg.scid  }
0x8b: {  	s0 =	sand.u32 $0x1, s1  }
0x8c: {  	s16 =	sshll.u32 s0, $0xA;
	s2 =	sadd.s32 s3, s2  }
0x8d: {  	s2 =	sadd.s32 s2, s16  }
0x8e: {  	[smem:$0x3FC1] =	sst s2  }
0x8f: {  	_ = 	snop  }
0x90: {  	(tm) =	ssettm $0x1  }
0x91: {  	s17 =	sld [smem:$0x3FFB];
	_ =	sdelay $0x3  }
0x92: {  	_ =	strace s17  }
0x93: {  	s2 =	sld [smem:$0x3FFC];
	_ =	sdelay $0x3  }
0x94: {  	_ =	strace s2  }
0x95: {  	s2 =	sld [smem:$0x3FFD];
	_ =	sdelay $0x3  }
0x96: {  	_ =	strace s2  }
0x97: {  	_ =	strace $0x8FFFFFFF  }
0x98: {  	s18 =	sld [smem:$0x3FDB];
	_ =	sdelay $0x1  }
0x99: {  	s19 =	simm.s32 $_scs_section_size  }
0x9a: {  	s4 =	simm.s32 $_size__tile_overlayer_lowered;
	s5 =	simm.s32 $_tile_overlayer_lowered  }
0x9b: {  	s22 =	simm.s32 $0x1BFF;
	s21 =	sshll.u32 s5, $0x1;
	s2 =	sadd.s32 s19, s18  }
0x9c: {  	s6 =	simm.s32 $0x0;
	s20 =	sshll.u32 s4, $0x1;
	s4 =	sadd.s32 s21, s2  }
0x9d: {  	[timem:s6], [sflag:s22] =	dma.local [hbm:s4], s20  }
0x9e: {  	_ =	swait.ge [sflag:s22], s20  }
0x9f: {  	s3 =	ssub.s32 $0x0, s20;
	[sflag:s22] =	ssyncset.done $0x0  }
0xa0: {  	[sflag:s22] =	ssyncadd.s32 s3;
	_ =	sdelay $0x1  }
0xa1: {  	s23 =	simm.s32 $0x1B8B  }
0xa2: {  	_ =	swait.ge [sflag:s23], $0x1  }
0xa3: {  	[sflag:s23] =	ssyncset.done $0x0  }
0xa4: {  	s25 =	simm.s32 $0x1B8E;
	s24 =	sld [smem:$0x3FFE];
	[sflag:s23] =	ssyncadd.s32 $0xFFFFFFFF  }
0xa5: {  	s26 =	simm.s32 $execute0_lowered;
	[smem:$0x3FD2] =	sst s25  }
0xa6: {  	s4 =	sshll.u32 s26, $0x1;
	_ =	strace $0x80000046;
	[dreg:$0x1] =	wrdreg $0xFFFFFFFF  }
0xa7: {  	s28 =	simm.s32 $_size_execute0_lowered;
	s2 =	sadd.s32 s2, s4;
	[dreg:$0x0] =	wrdreg $0x0  }
0xa8: {  	s4 =	sshll.u32 s28, $0x1;
	[dreg:$0x2] =	wrdreg s2  }
0xa9: {  	[dreg:$0x3] =	wrdreg s4  }
0xaa: {  	[dreg:$0x4] =	wrdreg $0xC0  }
0xab: {  	_ =	task [dreg:s6], $0x5FFFF  }
0xac: {  	[dreg:$0x1] =	wrdreg $0xFFFFFFFF  }
0xad: {  	[dreg:$0x0] =	wrdreg $0x60  }
0xae: {  	[dreg:$0x2] =	wrdreg s24  }
0xaf: {  	[dreg:$0x3] =	wrdreg $0x9  }
0xb0: {  	_ =	task.clear_ibuf [dreg:s6], $0x4FFFF;
	_ =	strace $0x90000046  }
0xb1: {  	s29 =	simm.s32 $0x9;
	_ =	strace $0x80000048  }
0xb2: {  	_ =	swait.ge [sflag:s29], $0x1  }
0xb3: {  	[sflag:s29] =	ssyncadd.s32 $0xFFFFFFFF  }
0xb4: {  	_ =	strace $0x90000048  }
0xb5: {  	_ =	sfence  }
0xb6: {  	s30 =	sld [smem:$0x0];
	_ =	sdelay $0x2  }
0xb7: {  	s31 =	sshll.u32 s1, $0xD;
	s1 =	sshrl.u32 s1, $0x2  }
0xb8: {  	s3 =	sand.u32 $0x4000, s31;
	s1 =	sadd.s32 s1, s30  }
0xb9: {  	s0 =	sor.u32 s3, s0;
	s1 =	sshll.u32 s1, $0x11  }
0xba: {  	s0 =	sor.u32 s1, s0  }
0xbb: {  	s0 =	sadd.s32 $0x8F2B, s0  }
0xbc: {  	[sflag:s0] =	ssyncadd.remote.s32 $0x1  }
0xbd: {  	_ =	sfence.sel $0xFFFF  }
0xbe: {  	[dreg:$0x0] =	wrdreg $0xFFFFFFFF;
	(pc) =	sbr.abs _section_cstart, $3  }
0xbf: {  	[dreg:$0x1] =	wrdreg $0xFFFFFFFF  }
0xc0: {  	_ =	task.clear_ibuf [dreg:s6], $0x2FFFF;
	_ =	strace $0x9FFFFFFF  }
0xc1: {  	(tm) =	ssettm $0x7FFFFFFF  }
tec
execute0_lowered:
.L_overlay_start_1:
0x0: {  	(tag) =	ssettag $0x1  }
0x1: {  	s1 =	srdreg.scid;
	s0 =	stileid.u32  }
0x2: {  	s1 =	sand.u32 $0x1, s1;
	s2 =	sshll.u32 s0, $0x1  }
0x3: {  	s30 =	sor.u32 s1, s2  }
0x4: {  	s24 =	rddreg [dreg:$0x0];
	s3 =	sshll.u32 s30, $0x10  }
0x5: {  	s2 =	simm.s32 $0x0;
	s29 =	sadd.s32 s3, s24  }
0x6: {  	[smem:$0x7FF] =	sst s2;
	s3 =	sadd.s32 $0xE00, s29  }
0x7: {  	_ =	strace $0x80000047;
	s5 =	sadd.s32 $0x1600, s29;
	[dreg:$0x2] =	wrdreg s3  }
0x8: {  	s6 =	sadd.s32 $0x1E00, s29;
	[dreg:$0x3] =	wrdreg s5  }
0x9: {  	s7 =	sadd.s32 $0x2600, s29;
	[dreg:$0x4] =	wrdreg s6  }
0xa: {  	s8 =	sadd.s32 $0x2E00, s29;
	[dreg:$0x5] =	wrdreg s7  }
0xb: {  	s9 =	sadd.s32 $0x3600, s29;
	[dreg:$0x6] =	wrdreg s8  }
0xc: {  	s10 =	sadd.s32 $0x3E00, s29;
	[dreg:$0x7] =	wrdreg s9  }
0xd: {  	s11 =	sadd.s32 $0x4600, s29;
	[dreg:$0x8] =	wrdreg s10  }
0xe: {  	s12 =	sadd.s32 $0x4E00, s29;
	[dreg:$0x9] =	wrdreg s11  }
0xf: {  	s13 =	sadd.s32 $0x5600, s29;
	[dreg:$0xa] =	wrdreg s12  }
0x10: {  	s14 =	sadd.s32 $0x5E00, s29;
	[dreg:$0xb] =	wrdreg s13  }
0x11: {  	s15 =	sadd.s32 $0x6600, s29;
	[dreg:$0xc] =	wrdreg s14  }
0x12: {  	s16 =	sadd.s32 $0x6E00, s29;
	[dreg:$0xd] =	wrdreg s15  }
0x13: {  	s17 =	sadd.s32 $0x7600, s29;
	[dreg:$0xe] =	wrdreg s16  }
0x14: {  	s18 =	sadd.s32 $0x7E00, s29;
	[dreg:$0xf] =	wrdreg s17  }
0x15: {  	s19 =	sadd.s32 $0x8600, s29;
	[dreg:$0x10] =	wrdreg s18  }
0x16: {  	s20 =	sadd.s32 $0x8E00, s29;
	[dreg:$0x11] =	wrdreg s19  }
0x17: {  	s21 =	sadd.s32 $0x9600, s29;
	[dreg:$0x12] =	wrdreg s20  }
0x18: {  	s22 =	sadd.s32 $0x9E00, s29;
	[dreg:$0x13] =	wrdreg s21  }
0x19: {  	s23 =	sadd.s32 $0xA600, s29;
	[dreg:$0x14] =	wrdreg s22  }
0x1a: {  	s25 =	sadd.s32 $0xAE00, s29;
	[dreg:$0x15] =	wrdreg s23  }
0x1b: {  	s26 =	sadd.s32 $0xB600, s29;
	[dreg:$0x16] =	wrdreg s25  }
0x1c: {  	s0 =	sadd.s32 $0xBE00, s29;
	[dreg:$0x17] =	wrdreg s26  }
0x1d: {  	s4 =	sadd.s32 $0xC600, s29;
	[dreg:$0x18] =	wrdreg s0  }
0x1e: {  	[dreg:$0x19] =	wrdreg s4;
	s5 =	simm.s32 $0x80  }
0x1f: {  	s6 =	simm.s32 $0x100;
	[smem:$0x7F7] =	sst s5  }
0x20: {  	s7 =	simm.s32 $0x180;
	[smem:$0x7F6] =	sst s6  }
0x21: {  	s8 =	simm.s32 $0x200;
	[smem:$0x7FA] =	sst s7  }
0x22: {  	s9 =	simm.s32 $0x280;
	[smem:$0x7F9] =	sst s8  }
0x23: {  	[smem:$0x7F8] =	sst s9  }
0x24: {  	s10 =	rddreg [dreg:$0x4]  }
0x25: {  	s4 =	rddreg [dreg:$0x3]  }
0x26: {  	s7 =	rddreg [dreg:$0x2]  }
0x27: {  	s12 =	rddreg [dreg:$0x5]  }
0x28: {  	s13 =	rddreg [dreg:$0x6]  }
0x29: {  	s14 =	rddreg [dreg:$0x7]  }
0x2a: {  	s15 =	rddreg [dreg:$0x8]  }
0x2b: {  	s17 =	rddreg [dreg:$0x9]  }
0x2c: {  	s19 =	rddreg [dreg:$0xa]  }
0x2d: {  	s21 =	rddreg [dreg:$0xb]  }
0x2e: {  	s23 =	rddreg [dreg:$0xc]  }
0x2f: {  	s6 =	sld [smem:$0x7F7]  }
0x30: {  	[tilespmem:s2], [sflag:$0x1] =	stream.linear.gather [hbm4b:s7+s2], $0x80, $0x38;
	[tilespmem:$0x1000] =	vst v63  }
0x31: {  	s5 =	sld [smem:$0x7F6]  }
0x32: {  	[tilespmem:s6], [sflag:$0x1] =	stream.linear.gather [hbm4b:s4+s2], $0x80, $0x38;
	[tilespmem:$0x1000] =	vst v63  }
0x33: {  	s11 =	sld [smem:$0x7FA]  }
0x34: {  	[tilespmem:s5], [sflag:$0x1] =	stream.linear.gather [hbm4b:s10+s2], $0x80, $0x38;
	[tilespmem:$0x1000] =	vst v63  }
0x35: {  	s9 =	sld [smem:$0x7F9]  }
0x36: {  	[tilespmem:s11], [sflag:$0x1] =	stream.linear.gather [hbm4b:s12+s2], $0x80, $0x38;
	[tilespmem:$0x1000] =	vst v63  }
0x37: {  	s0 =	sadd.s32 $0xCE00, s29;
	s8 =	sld [smem:$0x7F8]  }
0x38: {  	[tilespmem:s9], [sflag:$0x1] =	stream.linear.gather [hbm4b:s13+s2], $0x80, $0x38;
	[tilespmem:$0x1000] =	vst v63  }
0x39: {  	[dreg:$0x1a] =	wrdreg s0  }
0x3a: {  	[tilespmem:s8], [sflag:$0x1] =	stream.linear.gather [hbm4b:s14+s2], $0x80, $0x38;
	[tilespmem:$0x1000] =	vst v63  }
0x3b: {  	s16 =	simm.s32 $0x300;
	s3 =	rddreg [dreg:$0x1a];
	s7 =	sadd.s32 $0xEE00, s29  }
0x3c: {  	[tilespmem:s16], [sflag:$0x1] =	stream.linear.gather [hbm4b:s15+s2], $0x80, $0x38;
	[tilespmem:$0x1000] =	vst v63  }
0x3d: {  	s18 =	simm.s32 $0x380;
	[dreg:$0x1e] =	wrdreg s7  }
0x3e: {  	[tilespmem:s18], [sflag:$0x1] =	stream.linear.gather [hbm4b:s17+s2], $0x80, $0x38;
	[tilespmem:$0x1000] =	vst v63  }
0x3f: {  	s20 =	simm.s32 $0x400;
	s28 =	rddreg [dreg:$0x1e];
	s4 =	sadd.s32 $0xD600, s29  }
0x40: {  	[tilespmem:s20], [sflag:$0x1] =	stream.linear.gather [hbm4b:s19+s2], $0x80, $0x38;
	[tilespmem:$0x1000] =	vst v63  }
0x41: {  	s22 =	simm.s32 $0x480;
	s6 =	sadd.s32 $0xE600, s29;
	[dreg:$0x1b] =	wrdreg s4  }
0x42: {  	[tilespmem:s22], [sflag:$0x1] =	stream.linear.gather [hbm4b:s21+s2], $0x80, $0x38;
	[tilespmem:$0x1000] =	vst v63  }
0x43: {  	s25 =	simm.s32 $0x500;
	[dreg:$0x1d] =	wrdreg s6  }
0x44: {  	[tilespmem:s25], [sflag:$0x1] =	stream.linear.gather [hbm4b:s23+s2], $0x80, $0x38;
	[tilespmem:$0x1000] =	vst v63  }
0x45: {  	s26 =	simm.s32 $0x580;
	s10 =	rddreg [dreg:$0xd]  }
0x46: {  	[tilespmem:s26], [sflag:$0x1] =	stream.linear.gather [hbm4b:s10+s2], $0x80, $0x38;
	[tilespmem:$0x1000] =	vst v63  }
0x47: {  	s11 =	rddreg [dreg:$0xe];
	s9 =	simm.s32 $0x600  }
0x48: {  	[tilespmem:s9], [sflag:$0x1] =	stream.linear.gather [hbm4b:s11+s2], $0x80, $0x38;
	[tilespmem:$0x1000] =	vst v63  }
0x49: {  	s12 =	rddreg [dreg:$0xf];
	s10 =	simm.s32 $0x680  }
0x4a: {  	[tilespmem:s10], [sflag:$0x1] =	stream.linear.gather [hbm4b:s12+s2], $0x80, $0x38;
	[tilespmem:$0x1000] =	vst v63  }
0x4b: {  	s13 =	rddreg [dreg:$0x10];
	s11 =	simm.s32 $0x700  }
0x4c: {  	[tilespmem:s11], [sflag:$0x1] =	stream.linear.gather [hbm4b:s13+s2], $0x80, $0x38;
	[tilespmem:$0x1000] =	vst v63  }
0x4d: {  	s14 =	rddreg [dreg:$0x11];
	s12 =	simm.s32 $0x780  }
0x4e: {  	[tilespmem:s12], [sflag:$0x1] =	stream.linear.gather [hbm4b:s14+s2], $0x80, $0x38;
	[tilespmem:$0x1000] =	vst v63  }
0x4f: {  	s15 =	rddreg [dreg:$0x12];
	s13 =	simm.s32 $0x800  }
0x50: {  	[tilespmem:s13], [sflag:$0x1] =	stream.linear.gather [hbm4b:s15+s2], $0x80, $0x38;
	[tilespmem:$0x1000] =	vst v63  }
0x51: {  	s16 =	rddreg [dreg:$0x13];
	s14 =	simm.s32 $0x880  }
0x52: {  	[tilespmem:s14], [sflag:$0x1] =	stream.linear.gather [hbm4b:s16+s2], $0x80, $0x38;
	[tilespmem:$0x1000] =	vst v63  }
0x53: {  	s17 =	rddreg [dreg:$0x14];
	s15 =	simm.s32 $0x900  }
0x54: {  	[tilespmem:s15], [sflag:$0x1] =	stream.linear.gather [hbm4b:s17+s2], $0x80, $0x38;
	[tilespmem:$0x1000] =	vst v63  }
0x55: {  	s18 =	rddreg [dreg:$0x15];
	s16 =	simm.s32 $0x980  }
0x56: {  	[tilespmem:s16], [sflag:$0x1] =	stream.linear.gather [hbm4b:s18+s2], $0x80, $0x38;
	[tilespmem:$0x1000] =	vst v63  }
0x57: {  	s19 =	rddreg [dreg:$0x16];
	s17 =	simm.s32 $0xA00  }
0x58: {  	[tilespmem:s17], [sflag:$0x1] =	stream.linear.gather [hbm4b:s19+s2], $0x80, $0x38;
	[tilespmem:$0x1000] =	vst v63  }
0x59: {  	s20 =	rddreg [dreg:$0x17];
	s18 =	simm.s32 $0xA80  }
0x5a: {  	[tilespmem:s18], [sflag:$0x1] =	stream.linear.gather [hbm4b:s20+s2], $0x80, $0x38;
	[tilespmem:$0x1000] =	vst v63  }
0x5b: {  	s21 =	rddreg [dreg:$0x18];
	s19 =	simm.s32 $0xB00  }
0x5c: {  	[tilespmem:s19], [sflag:$0x1] =	stream.linear.gather [hbm4b:s21+s2], $0x80, $0x38;
	[tilespmem:$0x1000] =	vst v63  }
0x5d: {  	s5 =	sadd.s32 $0xDE00, s29;
	s22 =	rddreg [dreg:$0x19];
	s20 =	simm.s32 $0xB80  }
0x5e: {  	[tilespmem:s20], [sflag:$0x1] =	stream.linear.gather [hbm4b:s22+s2], $0x80, $0x38;
	[tilespmem:$0x1000] =	vst v63  }
0x5f: {  	[dreg:$0x1c] =	wrdreg s5;
	s21 =	simm.s32 $0xC00  }
0x60: {  	[tilespmem:s21], [sflag:$0x1] =	stream.linear.gather [hbm4b:s3+s2], $0x80, $0x38;
	[tilespmem:$0x1000] =	vst v63  }
0x61: {  	s23 =	rddreg [dreg:$0x1b];
	s22 =	simm.s32 $0xC80  }
0x62: {  	[tilespmem:s22], [sflag:$0x1] =	stream.linear.gather [hbm4b:s23+s2], $0x80, $0x38;
	[tilespmem:$0x1000] =	vst v63  }
0x63: {  	s25 =	rddreg [dreg:$0x1c];
	s23 =	simm.s32 $0xD00  }
0x64: {  	[tilespmem:s23], [sflag:$0x1] =	stream.linear.gather [hbm4b:s25+s2], $0x80, $0x38;
	[tilespmem:$0x1000] =	vst v63  }
0x65: {  	s8 =	sadd.s32 $0xF600, s29;
	s26 =	rddreg [dreg:$0x1d];
	s25 =	simm.s32 $0xD80  }
0x66: {  	[tilespmem:s25], [sflag:$0x1] =	stream.linear.gather [hbm4b:s26+s2], $0x80, $0x38;
	[tilespmem:$0x1000] =	vst v63  }
0x67: {  	[dreg:$0x1f] =	wrdreg s8;
	s26 =	simm.s32 $0xE00  }
0x68: {  	[tilespmem:s26], [sflag:$0x1] =	stream.linear.gather [hbm4b:s28+s2], $0x80, $0x38;
	[tilespmem:$0x1000] =	vst v63  }
0x69: {  	s31 =	rddreg [dreg:$0x1f];
	s28 =	sadd.s32 $0xFE00, s29  }
0x6a: {  	[smem:$0x7FB] =	sst s28;
	s28 =	simm.s32 $0xE80  }
0x6b: {  	[tilespmem:s28], [sflag:$0x1] =	stream.linear.gather [hbm4b:s31+s2], $0x80, $0x38;
	[tilespmem:$0x1000] =	vst v63  }
0x6c: {  	s31 =	sld [smem:$0x7FB]  }
0x6d: {  	s29 =	sadd.s32 $0x10600, s29  }
0x6e: {  	s30 =	sshll.u32 s30, $0x9;
	[smem:$0x7FC] =	sst s29;
	s29 =	simm.s32 $0xF00  }
0x6f: {  	[tilespmem:s29], [sflag:$0x1] =	stream.linear.gather [hbm4b:s31+s2], $0x80, $0x38;
	[tilespmem:$0x1000] =	vst v63  }
0x70: {  	s24 =	sadd.s32 s30, s24;
	s31 =	sld [smem:$0x7FC]  }
0x71: {  	s24 =	sadd.s32 $0x200E00, s24  }
0x72: {  	s30 =	simm.s32 $0xF80;
	[smem:$0x7FD] =	sst s24;
	s24 =	simm.s32 $0x1  }
0x73: {  	[tilespmem:s30], [sflag:$0x1] =	stream.linear.gather [hbm4b:s31+s2], $0x80, $0x38;
	[tilespmem:$0x1000] =	vst v63  }
0x74: {  	_ =	swait.ge [sflag:s24], $0x80  }
0x75: {  	[sflag:s24] =	ssyncset.done $0x0  }
0x76: {  	[sflag:s24] =	ssyncadd.s32 $0xFFFFFF80  }
0x77: {  	_ =	swait.ge [sflag:s24], $0x80  }
0x78: {  	[sflag:s24] =	ssyncset.done $0x0  }
0x79: {  	[sflag:s24] =	ssyncadd.s32 $0xFFFFFF80  }
0x7a: {  	_ =	swait.ge [sflag:s24], $0x80  }
0x7b: {  	[sflag:s24] =	ssyncset.done $0x0  }
0x7c: {  	[sflag:s24] =	ssyncadd.s32 $0xFFFFFF80  }
0x7d: {  	_ =	swait.ge [sflag:s24], $0x80  }
0x7e: {  	[sflag:s24] =	ssyncset.done $0x0  }
0x7f: {  	[sflag:s24] =	ssyncadd.s32 $0xFFFFFF80  }
0x80: {  	_ =	swait.ge [sflag:s24], $0x80  }
0x81: {  	[sflag:s24] =	ssyncset.done $0x0  }
0x82: {  	[sflag:s24] =	ssyncadd.s32 $0xFFFFFF80  }
0x83: {  	_ =	swait.ge [sflag:s24], $0x80  }
0x84: {  	[sflag:s24] =	ssyncset.done $0x0  }
0x85: {  	[sflag:s24] =	ssyncadd.s32 $0xFFFFFF80  }
0x86: {  	_ =	swait.ge [sflag:s24], $0x80  }
0x87: {  	[sflag:s24] =	ssyncset.done $0x0  }
0x88: {  	[sflag:s24] =	ssyncadd.s32 $0xFFFFFF80  }
0x89: {  	_ =	swait.ge [sflag:s24], $0x80  }
0x8a: {  	[sflag:s24] =	ssyncset.done $0x0  }
0x8b: {  	[sflag:s24] =	ssyncadd.s32 $0xFFFFFF80  }
0x8c: {  	_ =	swait.ge [sflag:s24], $0x80  }
0x8d: {  	[sflag:s24] =	ssyncset.done $0x0  }
0x8e: {  	[sflag:s24] =	ssyncadd.s32 $0xFFFFFF80  }
0x8f: {  	_ =	swait.ge [sflag:s24], $0x80  }
0x90: {  	[sflag:s24] =	ssyncset.done $0x0  }
0x91: {  	[sflag:s24] =	ssyncadd.s32 $0xFFFFFF80  }
0x92: {  	_ =	swait.ge [sflag:s24], $0x80  }
0x93: {  	[sflag:s24] =	ssyncset.done $0x0  }
0x94: {  	[sflag:s24] =	ssyncadd.s32 $0xFFFFFF80  }
0x95: {  	_ =	swait.ge [sflag:s24], $0x80  }
0x96: {  	[sflag:s24] =	ssyncset.done $0x0  }
0x97: {  	[sflag:s24] =	ssyncadd.s32 $0xFFFFFF80  }
0x98: {  	_ =	swait.ge [sflag:s24], $0x80  }
0x99: {  	[sflag:s24] =	ssyncset.done $0x0  }
0x9a: {  	[sflag:s24] =	ssyncadd.s32 $0xFFFFFF80  }
0x9b: {  	_ =	swait.ge [sflag:s24], $0x80  }
0x9c: {  	[sflag:s24] =	ssyncset.done $0x0  }
0x9d: {  	[sflag:s24] =	ssyncadd.s32 $0xFFFFFF80  }
0x9e: {  	_ =	swait.ge [sflag:s24], $0x80  }
0x9f: {  	[sflag:s24] =	ssyncset.done $0x0  }
0xa0: {  	[sflag:s24] =	ssyncadd.s32 $0xFFFFFF80  }
0xa1: {  	_ =	swait.ge [sflag:s24], $0x80  }
0xa2: {  	[sflag:s24] =	ssyncset.done $0x0  }
0xa3: {  	[sflag:s24] =	ssyncadd.s32 $0xFFFFFF80  }
0xa4: {  	_ =	swait.ge [sflag:s24], $0x80  }
0xa5: {  	[sflag:s24] =	ssyncset.done $0x0  }
0xa6: {  	[sflag:s24] =	ssyncadd.s32 $0xFFFFFF80  }
0xa7: {  	_ =	swait.ge [sflag:s24], $0x80  }
0xa8: {  	[sflag:s24] =	ssyncset.done $0x0  }
0xa9: {  	[sflag:s24] =	ssyncadd.s32 $0xFFFFFF80  }
0xaa: {  	_ =	swait.ge [sflag:s24], $0x80  }
0xab: {  	[sflag:s24] =	ssyncset.done $0x0  }
0xac: {  	[sflag:s24] =	ssyncadd.s32 $0xFFFFFF80  }
0xad: {  	_ =	swait.ge [sflag:s24], $0x80  }
0xae: {  	[sflag:s24] =	ssyncset.done $0x0  }
0xaf: {  	[sflag:s24] =	ssyncadd.s32 $0xFFFFFF80  }
0xb0: {  	_ =	swait.ge [sflag:s24], $0x80  }
0xb1: {  	[sflag:s24] =	ssyncset.done $0x0  }
0xb2: {  	s1 =	ssub.s32 $0x2, s1;
	[sflag:s24] =	ssyncadd.s32 $0xFFFFFF80  }
0xb3: {  	s31 =	sshrl.u32 s1, $0x1;
	_ =	swait.ge [sflag:s24], $0x80  }
0xb4: {  	s1 =	ssub.s32 s1, s31;
	[sflag:s24] =	ssyncset.done $0x0  }
0xb5: {  	s1 =	smax.u32 s1, $0x1;
	[sflag:s24] =	ssyncadd.s32 $0xFFFFFF80  }
0xb6: {  	p0 =	sne.s32 s1, $0x1;
	_ =	swait.ge [sflag:s24], $0x80  }
.Ltmp0:
0xb7: {  	[sflag:s24] =	ssyncset.done $0x0;
	(pc) =	sbr.rel @!p0 .LBB2_2-.Ltmp0, $4  }
0xb8: {  	[sflag:s24] =	ssyncadd.s32 $0xFFFFFF80  }
0xb9: {  	_ =	swait.ge [sflag:s24], $0x80  }
0xba: {  	[sflag:s24] =	ssyncset.done $0x0  }
0xbb: {  	s31 =	simm.s32 $0x2;
	s1 =	sadd.s32 $0xFFFFFFFF, s1;
	[sflag:s24] =	ssyncadd.s32 $0xFFFFFF80  }
.LBB2_1:
0xbc: {  	_ =	swait.ge [sflag:s24], $0x80  }
0xbd: {  	[sflag:s24] =	ssyncset.done $0x0  }
0xbe: {  	[sflag:s24] =	ssyncadd.s32 $0xFFFFFF80  }
0xbf: {  	_ =	swait.ge [sflag:s24], $0x80  }
0xc0: {  	[sflag:s24] =	ssyncset.done $0x0  }
0xc1: {  	[sflag:s24] =	ssyncadd.s32 $0xFFFFFF80  }
0xc2: {  	_ =	swait.ge [sflag:s24], $0x80  }
0xc3: {  	[sflag:s24] =	ssyncset.done $0x0  }
0xc4: {  	[sflag:s24] =	ssyncadd.s32 $0xFFFFFF80  }
0xc5: {  	_ =	swait.ge [sflag:s24], $0x80  }
0xc6: {  	[sflag:s24] =	ssyncset.done $0x0  }
0xc7: {  	[sflag:s24] =	ssyncadd.s32 $0xFFFFFF80  }
0xc8: {  	_ =	swait.ge [sflag:s24], $0x80  }
0xc9: {  	[sflag:s24] =	ssyncset.done $0x0  }
0xca: {  	[sflag:s24] =	ssyncadd.s32 $0xFFFFFF80  }
0xcb: {  	_ =	swait.ge [sflag:s24], $0x80  }
0xcc: {  	[sflag:s24] =	ssyncset.done $0x0  }
0xcd: {  	[sflag:s24] =	ssyncadd.s32 $0xFFFFFF80  }
0xce: {  	_ =	swait.ge [sflag:s24], $0x80  }
0xcf: {  	[sflag:s24] =	ssyncset.done $0x0  }
0xd0: {  	[sflag:s24] =	ssyncadd.s32 $0xFFFFFF80  }
0xd1: {  	_ =	swait.ge [sflag:s24], $0x80  }
0xd2: {  	s0 =	sld [smem:$0x7FD]  }
0xd3: {  	[sflag:s24] =	ssyncset.done $0x0  }
0xd4: {  	[sflag:s24] =	ssyncadd.s32 $0xFFFFFF80  }
0xd5: {  	[hbm4b:s0+s2] =	stream.linear.scatter [tilespmem:s2], [sflag:$0x2], $0x1000, $0x38;
	[tilespmem:$0x1000] =	vst v63  }
0xd6: {  	_ =	swait.ge [sflag:s31], $0x1000  }
0xd7: {  	s0 =	rddreg [dreg:$0x4]  }
0xd8: {  	s3 =	rddreg [dreg:$0x3]  }
0xd9: {  	s4 =	sld [smem:$0x7F6]  }
0xda: {  	s5 =	sld [smem:$0x7F7]  }
0xdb: {  	s6 =	rddreg [dreg:$0x2]  }
0xdc: {  	[sflag:s31] =	ssyncset.done $0x0;
	s7 =	sld [smem:$0x7F8]  }
0xdd: {  	s8 =	sld [smem:$0x7F9];
	[sflag:s31] =	ssyncadd.s32 $0xFFFFF000  }
0xde: {  	[tilespmem:s2], [sflag:$0x1] =	stream.linear.gather [hbm4b:s6+s2], $0x80, $0x38;
	[tilespmem:$0x1000] =	vst v63  }
0xdf: {  	s6 =	sld [smem:$0x7FA]  }
0xe0: {  	[tilespmem:s5], [sflag:$0x1] =	stream.linear.gather [hbm4b:s3+s2], $0x80, $0x38;
	[tilespmem:$0x1000] =	vst v63  }
0xe1: {  	s3 =	rddreg [dreg:$0x5]  }
0xe2: {  	[tilespmem:s4], [sflag:$0x1] =	stream.linear.gather [hbm4b:s0+s2], $0x80, $0x38;
	[tilespmem:$0x1000] =	vst v63  }
0xe3: {  	s5 =	rddreg [dreg:$0x6]  }
0xe4: {  	[tilespmem:s6], [sflag:$0x1] =	stream.linear.gather [hbm4b:s3+s2], $0x80, $0x38;
	[tilespmem:$0x1000] =	vst v63  }
0xe5: {  	s4 =	rddreg [dreg:$0x8]  }
0xe6: {  	[tilespmem:s8], [sflag:$0x1] =	stream.linear.gather [hbm4b:s5+s2], $0x80, $0x38;
	[tilespmem:$0x1000] =	vst v63  }
0xe7: {  	s6 =	rddreg [dreg:$0x7]  }
0xe8: {  	[tilespmem:s7], [sflag:$0x1] =	stream.linear.gather [hbm4b:s6+s2], $0x80, $0x38;
	[tilespmem:$0x1000] =	vst v63  }
0xe9: {  	s5 =	rddreg [dreg:$0x9];
	s6 =	simm.s32 $0x300  }
0xea: {  	[tilespmem:s6], [sflag:$0x1] =	stream.linear.gather [hbm4b:s4+s2], $0x80, $0x38;
	[tilespmem:$0x1000] =	vst v63  }
0xeb: {  	s8 =	simm.s32 $0x380;
	s7 =	rddreg [dreg:$0xa]  }
0xec: {  	[tilespmem:s8], [sflag:$0x1] =	stream.linear.gather [hbm4b:s5+s2], $0x80, $0x38;
	[tilespmem:$0x1000] =	vst v63  }
0xed: {  	s6 =	simm.s32 $0x400;
	s4 =	rddreg [dreg:$0x13]  }
0xee: {  	[tilespmem:s6], [sflag:$0x1] =	stream.linear.gather [hbm4b:s7+s2], $0x80, $0x38;
	[tilespmem:$0x1000] =	vst v63  }
0xef: {  	s5 =	rddreg [dreg:$0xb];
	s8 =	simm.s32 $0x480  }
0xf0: {  	[tilespmem:s8], [sflag:$0x1] =	stream.linear.gather [hbm4b:s5+s2], $0x80, $0x38;
	[tilespmem:$0x1000] =	vst v63  }
0xf1: {  	s7 =	rddreg [dreg:$0xc];
	s6 =	simm.s32 $0x500  }
0xf2: {  	[tilespmem:s6], [sflag:$0x1] =	stream.linear.gather [hbm4b:s7+s2], $0x80, $0x38;
	[tilespmem:$0x1000] =	vst v63  }
0xf3: {  	s5 =	rddreg [dreg:$0xd];
	s8 =	simm.s32 $0x580  }
0xf4: {  	[tilespmem:s8], [sflag:$0x1] =	stream.linear.gather [hbm4b:s5+s2], $0x80, $0x38;
	[tilespmem:$0x1000] =	vst v63  }
0xf5: {  	s7 =	rddreg [dreg:$0xe]  }
0xf6: {  	[tilespmem:s9], [sflag:$0x1] =	stream.linear.gather [hbm4b:s7+s2], $0x80, $0x38;
	[tilespmem:$0x1000] =	vst v63  }
0xf7: {  	s5 =	rddreg [dreg:$0xf]  }
0xf8: {  	[tilespmem:s10], [sflag:$0x1] =	stream.linear.gather [hbm4b:s5+s2], $0x80, $0x38;
	[tilespmem:$0x1000] =	vst v63  }
0xf9: {  	s6 =	rddreg [dreg:$0x10]  }
0xfa: {  	[tilespmem:s11], [sflag:$0x1] =	stream.linear.gather [hbm4b:s6+s2], $0x80, $0x38;
	[tilespmem:$0x1000] =	vst v63  }
0xfb: {  	s7 =	rddreg [dreg:$0x11]  }
0xfc: {  	[tilespmem:s12], [sflag:$0x1] =	stream.linear.gather [hbm4b:s7+s2], $0x80, $0x38;
	[tilespmem:$0x1000] =	vst v63  }
0xfd: {  	s8 =	rddreg [dreg:$0x12]  }
0xfe: {  	[tilespmem:s13], [sflag:$0x1] =	stream.linear.gather [hbm4b:s8+s2], $0x80, $0x38;
	[tilespmem:$0x1000] =	vst v63  }
0xff: {  	s5 =	rddreg [dreg:$0x14]  }
0x100: {  	[tilespmem:s14], [sflag:$0x1] =	stream.linear.gather [hbm4b:s4+s2], $0x80, $0x38;
	[tilespmem:$0x1000] =	vst v63  }
0x101: {  	s6 =	rddreg [dreg:$0x15]  }
0x102: {  	[tilespmem:s15], [sflag:$0x1] =	stream.linear.gather [hbm4b:s5+s2], $0x80, $0x38;
	[tilespmem:$0x1000] =	vst v63  }
0x103: {  	s7 =	rddreg [dreg:$0x16]  }
0x104: {  	[tilespmem:s16], [sflag:$0x1] =	stream.linear.gather [hbm4b:s6+s2], $0x80, $0x38;
	[tilespmem:$0x1000] =	vst v63  }
0x105: {  	s8 =	rddreg [dreg:$0x17]  }
0x106: {  	[tilespmem:s17], [sflag:$0x1] =	stream.linear.gather [hbm4b:s7+s2], $0x80, $0x38;
	[tilespmem:$0x1000] =	vst v63  }
0x107: {  	s4 =	rddreg [dreg:$0x18]  }
0x108: {  	[tilespmem:s18], [sflag:$0x1] =	stream.linear.gather [hbm4b:s8+s2], $0x80, $0x38;
	[tilespmem:$0x1000] =	vst v63  }
0x109: {  	s5 =	rddreg [dreg:$0x19]  }
0x10a: {  	[tilespmem:s19], [sflag:$0x1] =	stream.linear.gather [hbm4b:s4+s2], $0x80, $0x38;
	[tilespmem:$0x1000] =	vst v63  }
0x10b: {  	s6 =	rddreg [dreg:$0x1a]  }
0x10c: {  	[tilespmem:s20], [sflag:$0x1] =	stream.linear.gather [hbm4b:s5+s2], $0x80, $0x38;
	[tilespmem:$0x1000] =	vst v63  }
0x10d: {  	s7 =	rddreg [dreg:$0x1b]  }
0x10e: {  	[tilespmem:s21], [sflag:$0x1] =	stream.linear.gather [hbm4b:s6+s2], $0x80, $0x38;
	[tilespmem:$0x1000] =	vst v63  }
0x10f: {  	s8 =	rddreg [dreg:$0x1c]  }
0x110: {  	[tilespmem:s22], [sflag:$0x1] =	stream.linear.gather [hbm4b:s7+s2], $0x80, $0x38;
	[tilespmem:$0x1000] =	vst v63  }
0x111: {  	s4 =	rddreg [dreg:$0x1d]  }
0x112: {  	[tilespmem:s23], [sflag:$0x1] =	stream.linear.gather [hbm4b:s8+s2], $0x80, $0x38;
	[tilespmem:$0x1000] =	vst v63  }
0x113: {  	s5 =	rddreg [dreg:$0x1e]  }
0x114: {  	[tilespmem:s25], [sflag:$0x1] =	stream.linear.gather [hbm4b:s4+s2], $0x80, $0x38;
	[tilespmem:$0x1000] =	vst v63  }
0x115: {  	s6 =	rddreg [dreg:$0x1f]  }
0x116: {  	[tilespmem:s26], [sflag:$0x1] =	stream.linear.gather [hbm4b:s5+s2], $0x80, $0x38;
	[tilespmem:$0x1000] =	vst v63  }
0x117: {  	s7 =	sld [smem:$0x7FB]  }
0x118: {  	[tilespmem:s28], [sflag:$0x1] =	stream.linear.gather [hbm4b:s6+s2], $0x80, $0x38;
	[tilespmem:$0x1000] =	vst v63  }
0x119: {  	s8 =	sld [smem:$0x7FC]  }
0x11a: {  	[tilespmem:s29], [sflag:$0x1] =	stream.linear.gather [hbm4b:s7+s2], $0x80, $0x38;
	[tilespmem:$0x1000] =	vst v63  }
0x11b: {  	_ = 	snop  }
0x11c: {  	[tilespmem:s30], [sflag:$0x1] =	stream.linear.gather [hbm4b:s8+s2], $0x80, $0x38;
	[tilespmem:$0x1000] =	vst v63  }
0x11d: {  	_ =	swait.ge [sflag:s24], $0x80  }
0x11e: {  	[sflag:s24] =	ssyncset.done $0x0  }
0x11f: {  	[sflag:s24] =	ssyncadd.s32 $0xFFFFFF80  }
0x120: {  	_ =	swait.ge [sflag:s24], $0x80  }
0x121: {  	[sflag:s24] =	ssyncset.done $0x0  }
0x122: {  	[sflag:s24] =	ssyncadd.s32 $0xFFFFFF80  }
0x123: {  	_ =	swait.ge [sflag:s24], $0x80  }
0x124: {  	[sflag:s24] =	ssyncset.done $0x0  }
0x125: {  	[sflag:s24] =	ssyncadd.s32 $0xFFFFFF80  }
0x126: {  	_ =	swait.ge [sflag:s24], $0x80  }
0x127: {  	[sflag:s24] =	ssyncset.done $0x0  }
0x128: {  	[sflag:s24] =	ssyncadd.s32 $0xFFFFFF80  }
0x129: {  	_ =	swait.ge [sflag:s24], $0x80  }
0x12a: {  	[sflag:s24] =	ssyncset.done $0x0  }
0x12b: {  	[sflag:s24] =	ssyncadd.s32 $0xFFFFFF80  }
0x12c: {  	_ =	swait.ge [sflag:s24], $0x80  }
0x12d: {  	[sflag:s24] =	ssyncset.done $0x0  }
0x12e: {  	[sflag:s24] =	ssyncadd.s32 $0xFFFFFF80  }
0x12f: {  	_ =	swait.ge [sflag:s24], $0x80  }
0x130: {  	[sflag:s24] =	ssyncset.done $0x0  }
0x131: {  	[sflag:s24] =	ssyncadd.s32 $0xFFFFFF80  }
0x132: {  	_ =	swait.ge [sflag:s24], $0x80  }
0x133: {  	[sflag:s24] =	ssyncset.done $0x0  }
0x134: {  	[sflag:s24] =	ssyncadd.s32 $0xFFFFFF80  }
0x135: {  	_ =	swait.ge [sflag:s24], $0x80  }
0x136: {  	[sflag:s24] =	ssyncset.done $0x0  }
0x137: {  	[sflag:s24] =	ssyncadd.s32 $0xFFFFFF80  }
0x138: {  	_ =	swait.ge [sflag:s24], $0x80  }
0x139: {  	[sflag:s24] =	ssyncset.done $0x0  }
0x13a: {  	[sflag:s24] =	ssyncadd.s32 $0xFFFFFF80  }
0x13b: {  	_ =	swait.ge [sflag:s24], $0x80  }
0x13c: {  	[sflag:s24] =	ssyncset.done $0x0  }
0x13d: {  	[sflag:s24] =	ssyncadd.s32 $0xFFFFFF80  }
0x13e: {  	_ =	swait.ge [sflag:s24], $0x80  }
0x13f: {  	[sflag:s24] =	ssyncset.done $0x0  }
0x140: {  	[sflag:s24] =	ssyncadd.s32 $0xFFFFFF80  }
0x141: {  	_ =	swait.ge [sflag:s24], $0x80  }
0x142: {  	[sflag:s24] =	ssyncset.done $0x0  }
0x143: {  	[sflag:s24] =	ssyncadd.s32 $0xFFFFFF80  }
0x144: {  	_ =	swait.ge [sflag:s24], $0x80  }
0x145: {  	[sflag:s24] =	ssyncset.done $0x0  }
0x146: {  	[sflag:s24] =	ssyncadd.s32 $0xFFFFFF80  }
0x147: {  	_ =	swait.ge [sflag:s24], $0x80  }
0x148: {  	[sflag:s24] =	ssyncset.done $0x0  }
0x149: {  	[sflag:s24] =	ssyncadd.s32 $0xFFFFFF80  }
0x14a: {  	_ =	swait.ge [sflag:s24], $0x80  }
0x14b: {  	[sflag:s24] =	ssyncset.done $0x0  }
0x14c: {  	[sflag:s24] =	ssyncadd.s32 $0xFFFFFF80  }
0x14d: {  	_ =	swait.ge [sflag:s24], $0x80  }
0x14e: {  	[sflag:s24] =	ssyncset.done $0x0  }
0x14f: {  	[sflag:s24] =	ssyncadd.s32 $0xFFFFFF80  }
0x150: {  	_ =	swait.ge [sflag:s24], $0x80  }
0x151: {  	[sflag:s24] =	ssyncset.done $0x0  }
0x152: {  	[sflag:s24] =	ssyncadd.s32 $0xFFFFFF80  }
0x153: {  	_ =	swait.ge [sflag:s24], $0x80  }
0x154: {  	[sflag:s24] =	ssyncset.done $0x0  }
0x155: {  	[sflag:s24] =	ssyncadd.s32 $0xFFFFFF80  }
0x156: {  	_ =	swait.ge [sflag:s24], $0x80  }
0x157: {  	[sflag:s24] =	ssyncset.done $0x0  }
0x158: {  	[sflag:s24] =	ssyncadd.s32 $0xFFFFFF80  }
0x159: {  	_ =	swait.ge [sflag:s24], $0x80  }
0x15a: {  	[sflag:s24] =	ssyncset.done $0x0  }
0x15b: {  	[sflag:s24] =	ssyncadd.s32 $0xFFFFFF80  }
0x15c: {  	_ =	swait.ge [sflag:s24], $0x80  }
0x15d: {  	[sflag:s24] =	ssyncset.done $0x0  }
0x15e: {  	[sflag:s24] =	ssyncadd.s32 $0xFFFFFF80  }
0x15f: {  	p0 =	sne.s32 s1, $0x1;
	_ =	swait.ge [sflag:s24], $0x80  }
.Ltmp1:
0x160: {  	[sflag:s24] =	ssyncset.done $0x0;
	(pc) =	sbr.rel @p0 .LBB2_1-.Ltmp1, $4  }
0x161: {  	[sflag:s24] =	ssyncadd.s32 $0xFFFFFF80  }
0x162: {  	_ =	swait.ge [sflag:s24], $0x80  }
0x163: {  	[sflag:s24] =	ssyncset.done $0x0  }
0x164: {  	s1 =	sadd.s32 $0xFFFFFFFF, s1;
	[sflag:s24] =	ssyncadd.s32 $0xFFFFFF80  }
.LBB2_2:
0x165: {  	_ =	swait.ge [sflag:s24], $0x80  }
0x166: {  	[sflag:s24] =	ssyncset.done $0x0  }
0x167: {  	[sflag:s24] =	ssyncadd.s32 $0xFFFFFF80  }
0x168: {  	_ =	swait.ge [sflag:s24], $0x80  }
0x169: {  	[sflag:s24] =	ssyncset.done $0x0  }
0x16a: {  	[sflag:s24] =	ssyncadd.s32 $0xFFFFFF80  }
0x16b: {  	_ =	swait.ge [sflag:s24], $0x80  }
0x16c: {  	[sflag:s24] =	ssyncset.done $0x0  }
0x16d: {  	[sflag:s24] =	ssyncadd.s32 $0xFFFFFF80  }
0x16e: {  	_ =	swait.ge [sflag:s24], $0x80  }
0x16f: {  	[sflag:s24] =	ssyncset.done $0x0  }
0x170: {  	[sflag:s24] =	ssyncadd.s32 $0xFFFFFF80  }
0x171: {  	_ =	swait.ge [sflag:s24], $0x80  }
0x172: {  	[sflag:s24] =	ssyncset.done $0x0  }
0x173: {  	[sflag:s24] =	ssyncadd.s32 $0xFFFFFF80  }
0x174: {  	_ =	swait.ge [sflag:s24], $0x80  }
0x175: {  	[sflag:s24] =	ssyncset.done $0x0  }
0x176: {  	[sflag:s24] =	ssyncadd.s32 $0xFFFFFF80  }
0x177: {  	_ =	swait.ge [sflag:s24], $0x80  }
0x178: {  	[sflag:s24] =	ssyncset.done $0x0  }
0x179: {  	[sflag:s24] =	ssyncadd.s32 $0xFFFFFF80  }
0x17a: {  	_ =	swait.ge [sflag:s24], $0x80  }
0x17b: {  	s0 =	sld [smem:$0x7FD]  }
0x17c: {  	[sflag:s24] =	ssyncset.done $0x0  }
0x17d: {  	[sflag:s24] =	ssyncadd.s32 $0xFFFFFF80  }
0x17e: {  	[hbm4b:s0+s2] =	stream.linear.scatter [tilespmem:s2], [sflag:$0x2], $0x1000, $0x38;
	[tilespmem:$0x1000] =	vst v63  }
0x17f: {  	_ =	swait.ge [sflag:s31], $0x1000  }
0x180: {  	[sflag:s31] =	ssyncset.done $0x0  }
0x181: {  	[sflag:s31] =	ssyncadd.s32 $0xFFFFF000  }
0x182: {  	_ =	sfence.sel $0x180000  }
0x183: {  	[bflag:$0x0] =	sbarrier.arrive $0xFFFF  }
0x184: {  	_ =	strace $0x90000047  }
0x185: {  	s31 =	stileid.u32;
	[bflag:$0x2] =	sbarrier.arrive $0xFFFF  }
0x186: {  	p0 =	sne.s32 s31, $0x0;
	s0 =	rddreg [dreg:$0x1]  }
0x187: {  	s0 =	sadd.s32 @!p0 $0x100000, s0  }
0x188: {  	[sflag:s0] =	ssyncadd.tile.s32 @!p0 $0x1;
	_ =	shalt  }
.Lfunc_end2:
_tile_overlayer_lowered:
.L_overlay_start_2:
0x189: {  	(tag) =	ssettag $0x2  }
0x18a: {  	s0 =	rddreg [dreg:$0x0];
	s2 =	stileid.u32  }
0x18b: {  	s1 =	rddreg [dreg:$0x1];
	p0 =	sne.s32 s2, $0x0  }
0x18c: {  	s3 =	rddreg [dreg:$0x2];
	[bflag:$0x3] =	sbarrier.arrive $0xFFFF;
	s2 =	simm.s32 @!p0 $0x1C02  }
0x18d: {  	[timem:s3], [sflag:s2] =	dma.local @!p0 [hbm:s0], s1  }
0x18e: {  	s0 =	simm.s32 @!p0 $0x2  }
0x18f: {  	_ =	swait.ge @!p0 [sflag:s0], s1  }
0x190: {  	s1 =	ssub.s32 @!p0 $0x0, s1;
	[sflag:s0] =	ssyncset.done @!p0 $0x0  }
0x191: {  	[sflag:s0] =	ssyncadd.s32 @!p0 s1  }
0x192: {  	[bflag:$0x3] =	sbarrier.arrive $0xFFFF  }
0x193: {  	_ =	shalt  }

</sc_bundles>
